<compile_context>
chip_gen: v7x
topology: tpu7x:2x2x1
jax: 0.10.2.dev20260603
libtpu: 0.0.44.dev20260713+nightly
codegen_flags: <defaults>
</compile_context>

<pallas_src>
import jax
import jax.numpy as jnp
from jax.experimental import pallas as pl
from jax.experimental.pallas import tpu as pltpu
from jax.experimental.pallas import tpu_sc as plsc

N_TOK = 65536
N_EMB = 1024
DIM = 64
BLK = 4096
NCHUNK = 2
CHT = N_TOK // NCHUNK

SC_NC = 2
SC_NS = 16
SC_NW = SC_NC * SC_NS
SC_CH = 128


def _tc_body(xt_ref, w_ref, idx_ref, loss_ref, acc_ref):
    i = pl.program_id(0)
    xt = xt_ref[...]
    w = w_ref[...]
    c = jax.lax.dot_general(w, xt, (((1,), (0,)), ((), ())),
                            preferred_element_type=jnp.float32)
    a = jnp.sum(xt * xt, axis=0, keepdims=True)
    b = jnp.sum(w * w, axis=1, keepdims=True)
    dist = (b + a) - 2.0 * c
    m = jnp.min(dist, axis=0, keepdims=True)
    jidx = jax.lax.broadcasted_iota(
        jnp.int32, dist.shape, 0).astype(jnp.float32)
    idxf = jnp.min(jnp.where(dist == m, jidx, float(N_EMB)), axis=0)
    idx_ref[...] = idxf.astype(jnp.int32).reshape(1, 1, BLK)

    @pl.when(i == 0)
    def _():
        acc_ref[0] = 0.0

    acc_ref[0] += jnp.sum(m)

    @pl.when(i == pl.num_programs(0) - 1)
    def _():
        loss_ref[...] = jnp.full((1, 1), acc_ref[0], dtype=jnp.float32)


def _tc_argmin_loss(xt, weight, k):
    g = CHT // BLK
    return pl.pallas_call(
        _tc_body,
        grid=(g,),
        in_specs=[
            pl.BlockSpec((DIM, BLK), lambda i, k=k: (0, i + k * g)),
            pl.BlockSpec((N_EMB, DIM), lambda i: (0, 0)),
        ],
        out_specs=[
            pl.BlockSpec((1, 1, BLK), lambda i: (i, 0, 0)),
            pl.BlockSpec((1, 1), lambda i: (0, 0)),
        ],
        out_shape=[
            jax.ShapeDtypeStruct((g, 1, BLK), jnp.int32),
            jax.ShapeDtypeStruct((1, 1), jnp.float32),
        ],
        scratch_shapes=[pltpu.SMEM((1,), jnp.float32)],
    )(xt, weight)


def _sc_gather(w_pad, idx):
    n = idx.shape[0]
    rows_per_w = n // SC_NW
    n_ch = rows_per_w // SC_CH
    mesh = plsc.VectorSubcoreMesh(core_axis_name="c", subcore_axis_name="s")

    nb = 4

    @pl.kernel(out_type=jax.ShapeDtypeStruct((n, 128), jnp.float32),
               mesh=mesh,
               scratch_types=(
                   [pltpu.VMEM((rows_per_w,), jnp.int32)]
                   + [pltpu.VMEM((SC_CH, 128), jnp.float32)] * nb
                   + [pltpu.SemaphoreType.DMA] * (2 * nb)
               ))
    def k(w_hbm, i_hbm, o_hbm, idx_all, *bufs_sems):
        bufs = bufs_sems[:nb]
        gsems = bufs_sems[nb:2 * nb]
        wsems = bufs_sems[2 * nb:]
        wid = jax.lax.axis_index("s") * SC_NC + jax.lax.axis_index("c")
        base = wid * rows_per_w
        pltpu.sync_copy(i_hbm.at[pl.ds(base, rows_per_w)], idx_all)
        gathers = [None] * n_ch
        writes = [None] * n_ch
        for c in range(n_ch):
            s = c % nb
            if c >= nb:
                writes[c - nb].wait()
            gathers[c] = pltpu.async_copy(
                w_hbm.at[idx_all.at[pl.ds(c * SC_CH, SC_CH)]], bufs[s],
                gsems[s])
            if c >= 1:
                d = c - 1
                gathers[d].wait()
                writes[d] = pltpu.async_copy(
                    bufs[d % nb],
                    o_hbm.at[pl.ds(base + d * SC_CH, SC_CH)],
                    wsems[d % nb])
        d = n_ch - 1
        gathers[d].wait()
        writes[d] = pltpu.async_copy(
            bufs[d % nb], o_hbm.at[pl.ds(base + d * SC_CH, SC_CH)],
            wsems[d % nb])
        for d in range(max(0, n_ch - nb), n_ch):
            writes[d].wait()

    return k(w_pad, idx)


SL_BLK = 8192


def _packT_body(_, q_ref, o_ref):
    o_ref[...] = q_ref[:, :DIM].T


def _packT_first(q_raw):
    g = CHT // SL_BLK
    return pl.pallas_call(
        lambda q, o: _packT_body(None, q, o),
        grid=(g,),
        in_specs=[pl.BlockSpec((SL_BLK, 128), lambda i: (i, 0))],
        out_specs=pl.BlockSpec((DIM, SL_BLK), lambda i: (0, i)),
        out_shape=jax.ShapeDtypeStruct((DIM, N_TOK), jnp.float32),
    )(q_raw)


def _packT_into(buf, q_raw, k):
    g = CHT // SL_BLK
    return pl.pallas_call(
        _packT_body,
        grid=(g,),
        in_specs=[
            pl.BlockSpec(memory_space=pl.ANY),
            pl.BlockSpec((SL_BLK, 128), lambda i: (i, 0)),
        ],
        out_specs=pl.BlockSpec((DIM, SL_BLK), lambda i, k=k, g=g: (0, i + k * g)),
        out_shape=jax.ShapeDtypeStruct((DIM, N_TOK), jnp.float32),
        input_output_aliases={0: 0},
    )(buf, q_raw)


def kernel(inputs, weight):
    w_pad = jnp.concatenate(
        [weight, jnp.zeros((N_EMB, 128 - DIM), jnp.float32)], axis=1)
    xt = inputs.T
    idx_parts, loss_parts, q_raws = [], [], []
    for k in range(NCHUNK):
        idx2d, lsum = _tc_argmin_loss(xt, weight, k)
        idx = idx2d.reshape(CHT)
        q_raws.append(_sc_gather(w_pad, idx))
        idx_parts.append(idx)
        loss_parts.append(lsum[0, 0])
    qt = _packT_first(q_raws[0])
    for k in range(1, NCHUNK):
        qt = _packT_into(qt, q_raws[k], k)
    quantized = qt.T
    loss = sum(loss_parts) * (1.25 / (N_TOK * DIM))
    indices = jnp.concatenate(idx_parts, axis=0)
    return loss, quantized, indices

# --- scband reference (transcript-rebuilt; emitter-appended) ---
"""Pipeline reference for scband-vector-quantizer-69896297775564 (READ-ONLY COPY).

The authoritative reference and input builder live on the scoring server;
editing this copy changes nothing except your own understanding.
"""

import jax, jax.numpy as jnp
import numpy as np

NUM_EMBEDDINGS = 1024
EMBEDDING_DIM = 64
N_TOKENS = 65536
COMMITMENT_COST = 0.25


def setup_inputs(seed: int = 0) -> dict:
    key = jax.random.key(seed)
    k1, k2 = jax.random.split(key)
    inputs = jax.random.normal(k1, (N_TOKENS, EMBEDDING_DIM), dtype=jnp.float32)
    weight = jax.random.uniform(
        k2, (NUM_EMBEDDINGS, EMBEDDING_DIM), dtype=jnp.float32,
        minval=-1.0 / NUM_EMBEDDINGS, maxval=1.0 / NUM_EMBEDDINGS)
    return {"inputs": inputs, "weight": weight}


def reference(inputs, weight):
    # distances[i, j] = ||inputs[i]||^2 + ||weight[j]||^2 - 2 <inputs[i], weight[j]>
    distances = (jnp.sum(inputs ** 2, axis=1, keepdims=True)
                 + jnp.sum(weight ** 2, axis=1)
                 - 2.0 * jnp.matmul(inputs, weight.T))
    encoding_indices = jnp.argmin(distances, axis=1)
    n = encoding_indices.shape[0]
    encodings = jnp.zeros((n, weight.shape[0]), dtype=inputs.dtype)
    encodings = encodings.at[jnp.arange(n), encoding_indices].set(1.0)
    quantized = jnp.matmul(encodings, weight)
    e_latent_loss = jnp.mean((jax.lax.stop_gradient(quantized) - inputs) ** 2)
    q_latent_loss = jnp.mean((quantized - jax.lax.stop_gradient(inputs)) ** 2)
    loss = q_latent_loss + COMMITMENT_COST * e_latent_loss
    quantized_st = inputs + jax.lax.stop_gradient(quantized - inputs)
    return (loss, quantized_st, encoding_indices)

if __name__ == "__main__":
    import jax
    _d = setup_inputs()
    print(jax.jit(kernel)(*tuple(_d.values())))

</pallas_src>

<mosaic_0001>
#map = affine_map<(d0, d1) -> (0, 0)>
#map1 = affine_map<(d0, d1) -> (0)>
module attributes {stable_mosaic.version = 14 : i64} {
  func.func @k(%arg0: i32, %arg1: i32, %arg2: memref<1024x128xf32, #tpu.memory_space<hbm>>, %arg3: memref<32768xi32, #tpu.memory_space<hbm>>, %arg4: memref<32768x128xf32, #tpu.memory_space<hbm>>, %arg5: memref<1024xi32, #tpu.memory_space<vmem>>, %arg6: memref<128x128xf32, #tpu.memory_space<vmem>>, %arg7: memref<128x128xf32, #tpu.memory_space<vmem>>, %arg8: memref<128x128xf32, #tpu.memory_space<vmem>>, %arg9: memref<128x128xf32, #tpu.memory_space<vmem>>, %arg10: memref<!tpu.dma_semaphore, #tpu.memory_space<semaphore_mem>>, %arg11: memref<!tpu.dma_semaphore, #tpu.memory_space<semaphore_mem>>, %arg12: memref<!tpu.dma_semaphore, #tpu.memory_space<semaphore_mem>>, %arg13: memref<!tpu.dma_semaphore, #tpu.memory_space<semaphore_mem>>, %arg14: memref<!tpu.dma_semaphore, #tpu.memory_space<semaphore_mem>>, %arg15: memref<!tpu.dma_semaphore, #tpu.memory_space<semaphore_mem>>, %arg16: memref<!tpu.dma_semaphore, #tpu.memory_space<semaphore_mem>>, %arg17: memref<!tpu.dma_semaphore, #tpu.memory_space<semaphore_mem>>) attributes {dimension_semantics = [#tpu.dimension_semantics<core_parallel>, #tpu.dimension_semantics<subcore_parallel>], iteration_bounds = array<i64: 2, 16>, scalar_prefetch = 0 : i64, scratch_operands = 13 : i64, tpu.core_type = #tpu.core_type<sc_vector_subcore>, window_params = [{transform_indices = #map}, {transform_indices = #map1}, {transform_indices = #map}]} {
    %mul3A = arith.constant 2 : i32
    %mul3A_0 = arith.muli %arg1, %mul3A : i32
    %add3A = arith.addi %mul3A_0, %arg0 : i32
    %mul3A_1 = arith.constant 1024 : i32
    %mul3A_2 = arith.muli %add3A, %mul3A_1 : i32
    "tpu.region"() ({
      %run_scoped3A = tpu.sem_alloc : memref<!tpu.dma_semaphore, #tpu.memory_space<semaphore_mem>>
      %dma_start3A_161 = tpu.memref_slice %arg3[%mul3A_2] : memref<32768xi32, #tpu.memory_space<hbm>> -> memref<1024xi32, #tpu.memory_space<hbm>>
      %dma_start3A_162 = tpu.memref_slice %arg3[%mul3A_2] : memref<32768xi32, #tpu.memory_space<hbm>> -> memref<1024xi32, #tpu.memory_space<hbm>>
      tpu.enqueue_dma source(%dma_start3A_162 : memref<1024xi32, #tpu.memory_space<hbm>>) target(%arg5 : memref<1024xi32, #tpu.memory_space<vmem>>) target_semaphore(%run_scoped3A : memref<!tpu.dma_semaphore, #tpu.memory_space<semaphore_mem>>)
      %dma_wait3A_163 = tpu.memref_slice %arg3[%mul3A_2] : memref<32768xi32, #tpu.memory_space<hbm>> -> memref<1024xi32, #tpu.memory_space<hbm>>
      %dma_wait3A_164 = tpu.memref_slice %arg3[%mul3A_2] : memref<32768xi32, #tpu.memory_space<hbm>> -> memref<1024xi32, #tpu.memory_space<hbm>>
      tpu.wait_dma2 semaphore(%run_scoped3A : memref<!tpu.dma_semaphore, #tpu.memory_space<semaphore_mem>>) src(%dma_wait3A_164 : memref<1024xi32, #tpu.memory_space<hbm>>) dst(%arg5 : memref<1024xi32, #tpu.memory_space<vmem>>)
      tpu.yield
    }) : () -> ()
    %dma_start3A = arith.constant 0 : i32
    %dma_start3A_3 = tpu.memref_slice %arg5[%dma_start3A] : memref<1024xi32, #tpu.memory_space<vmem>> -> memref<128xi32, #tpu.memory_space<vmem>>
    %dma_start3A_4 = arith.constant 0 : i32
    %dma_start3A_5 = arith.constant 0 : i32
    %dma_start3A_6 = tpu.memref_slice %arg2[%dma_start3A_4, %dma_start3A_5] : memref<1024x128xf32, #tpu.memory_space<hbm>> -> memref<1024x128xf32, #tpu.memory_space<hbm>>
    tpu.enqueue_indirect_dma source(%dma_start3A_6 : memref<1024x128xf32, #tpu.memory_space<hbm>>) target(%arg6 : memref<128x128xf32, #tpu.memory_space<vmem>>) offsets(%dma_start3A_3 : memref<128xi32, #tpu.memory_space<vmem>>) semaphore(%arg10 : memref<!tpu.dma_semaphore, #tpu.memory_space<semaphore_mem>>)
    %dma_start3A_7 = arith.constant 128 : i32
    %dma_start3A_8 = tpu.memref_slice %arg5[%dma_start3A_7] : memref<1024xi32, #tpu.memory_space<vmem>> -> memref<128xi32, #tpu.memory_space<vmem>>
    %dma_start3A_9 = arith.constant 0 : i32
    %dma_start3A_10 = arith.constant 0 : i32
    %dma_start3A_11 = tpu.memref_slice %arg2[%dma_start3A_9, %dma_start3A_10] : memref<1024x128xf32, #tpu.memory_space<hbm>> -> memref<1024x128xf32, #tpu.memory_space<hbm>>
    tpu.enqueue_indirect_dma source(%dma_start3A_11 : memref<1024x128xf32, #tpu.memory_space<hbm>>) target(%arg7 : memref<128x128xf32, #tpu.memory_space<vmem>>) offsets(%dma_start3A_8 : memref<128xi32, #tpu.memory_space<vmem>>) semaphore(%arg11 : memref<!tpu.dma_semaphore, #tpu.memory_space<semaphore_mem>>)
    %dma_wait3A = arith.constant 0 : i32
    %dma_wait3A_12 = tpu.memref_slice %arg5[%dma_wait3A] : memref<1024xi32, #tpu.memory_space<vmem>> -> memref<128xi32, #tpu.memory_space<vmem>>
    %dma_wait3A_13 = arith.constant 0 : i32
    %dma_wait3A_14 = arith.constant 0 : i32
    %dma_wait3A_15 = tpu.memref_slice %arg2[%dma_wait3A_13, %dma_wait3A_14] : memref<1024x128xf32, #tpu.memory_space<hbm>> -> memref<1024x128xf32, #tpu.memory_space<hbm>>
    tpu.wait_indirect_dma semaphore(%arg10 : memref<!tpu.dma_semaphore, #tpu.memory_space<semaphore_mem>>) src(%dma_wait3A_15 : memref<1024x128xf32, #tpu.memory_space<hbm>>) dst(%arg6 : memref<128x128xf32, #tpu.memory_space<vmem>>)
    %add3A_16 = arith.constant 0 : i32
    %add3A_17 = arith.addi %mul3A_2, %add3A_16 : i32
    %dma_start3A_18 = arith.constant 0 : i32
    %dma_start3A_19 = tpu.memref_slice %arg4[%add3A_17, %dma_start3A_18] : memref<32768x128xf32, #tpu.memory_space<hbm>> -> memref<128x128xf32, #tpu.memory_space<hbm>>
    %dma_start3A_20 = arith.constant 0 : i32
    %dma_start3A_21 = tpu.memref_slice %arg4[%add3A_17, %dma_start3A_20] : memref<32768x128xf32, #tpu.memory_space<hbm>> -> memref<128x128xf32, #tpu.memory_space<hbm>>
    tpu.enqueue_dma source(%arg6 : memref<128x128xf32, #tpu.memory_space<vmem>>) target(%dma_start3A_21 : memref<128x128xf32, #tpu.memory_space<hbm>>) target_semaphore(%arg14 : memref<!tpu.dma_semaphore, #tpu.memory_space<semaphore_mem>>)
    %dma_start3A_22 = arith.constant 256 : i32
    %dma_start3A_23 = tpu.memref_slice %arg5[%dma_start3A_22] : memref<1024xi32, #tpu.memory_space<vmem>> -> memref<128xi32, #tpu.memory_space<vmem>>
    %dma_start3A_24 = arith.constant 0 : i32
    %dma_start3A_25 = arith.constant 0 : i32
    %dma_start3A_26 = tpu.memref_slice %arg2[%dma_start3A_24, %dma_start3A_25] : memref<1024x128xf32, #tpu.memory_space<hbm>> -> memref<1024x128xf32, #tpu.memory_space<hbm>>
    tpu.enqueue_indirect_dma source(%dma_start3A_26 : memref<1024x128xf32, #tpu.memory_space<hbm>>) target(%arg8 : memref<128x128xf32, #tpu.memory_space<vmem>>) offsets(%dma_start3A_23 : memref<128xi32, #tpu.memory_space<vmem>>) semaphore(%arg12 : memref<!tpu.dma_semaphore, #tpu.memory_space<semaphore_mem>>)
    %dma_wait3A_27 = arith.constant 128 : i32
    %dma_wait3A_28 = tpu.memref_slice %arg5[%dma_wait3A_27] : memref<1024xi32, #tpu.memory_space<vmem>> -> memref<128xi32, #tpu.memory_space<vmem>>
    %dma_wait3A_29 = arith.constant 0 : i32
    %dma_wait3A_30 = arith.constant 0 : i32
    %dma_wait3A_31 = tpu.memref_slice %arg2[%dma_wait3A_29, %dma_wait3A_30] : memref<1024x128xf32, #tpu.memory_space<hbm>> -> memref<1024x128xf32, #tpu.memory_space<hbm>>
    tpu.wait_indirect_dma semaphore(%arg11 : memref<!tpu.dma_semaphore, #tpu.memory_space<semaphore_mem>>) src(%dma_wait3A_31 : memref<1024x128xf32, #tpu.memory_space<hbm>>) dst(%arg7 : memref<128x128xf32, #tpu.memory_space<vmem>>)
    %add3A_32 = arith.constant 128 : i32
    %add3A_33 = arith.addi %mul3A_2, %add3A_32 : i32
    %dma_start3A_34 = arith.constant 0 : i32
    %dma_start3A_35 = tpu.memref_slice %arg4[%add3A_33, %dma_start3A_34] : memref<32768x128xf32, #tpu.memory_space<hbm>> -> memref<128x128xf32, #tpu.memory_space<hbm>>
    %dma_start3A_36 = arith.constant 0 : i32
    %dma_start3A_37 = tpu.memref_slice %arg4[%add3A_33, %dma_start3A_36] : memref<32768x128xf32, #tpu.memory_space<hbm>> -> memref<128x128xf32, #tpu.memory_space<hbm>>
    tpu.enqueue_dma source(%arg7 : memref<128x128xf32, #tpu.memory_space<vmem>>) target(%dma_start3A_37 : memref<128x128xf32, #tpu.memory_space<hbm>>) target_semaphore(%arg15 : memref<!tpu.dma_semaphore, #tpu.memory_space<semaphore_mem>>)
    %dma_start3A_38 = arith.constant 384 : i32
    %dma_start3A_39 = tpu.memref_slice %arg5[%dma_start3A_38] : memref<1024xi32, #tpu.memory_space<vmem>> -> memref<128xi32, #tpu.memory_space<vmem>>
    %dma_start3A_40 = arith.constant 0 : i32
    %dma_start3A_41 = arith.constant 0 : i32
    %dma_start3A_42 = tpu.memref_slice %arg2[%dma_start3A_40, %dma_start3A_41] : memref<1024x128xf32, #tpu.memory_space<hbm>> -> memref<1024x128xf32, #tpu.memory_space<hbm>>
    tpu.enqueue_indirect_dma source(%dma_start3A_42 : memref<1024x128xf32, #tpu.memory_space<hbm>>) target(%arg9 : memref<128x128xf32, #tpu.memory_space<vmem>>) offsets(%dma_start3A_39 : memref<128xi32, #tpu.memory_space<vmem>>) semaphore(%arg13 : memref<!tpu.dma_semaphore, #tpu.memory_space<semaphore_mem>>)
    %dma_wait3A_43 = arith.constant 256 : i32
    %dma_wait3A_44 = tpu.memref_slice %arg5[%dma_wait3A_43] : memref<1024xi32, #tpu.memory_space<vmem>> -> memref<128xi32, #tpu.memory_space<vmem>>
    %dma_wait3A_45 = arith.constant 0 : i32
    %dma_wait3A_46 = arith.constant 0 : i32
    %dma_wait3A_47 = tpu.memref_slice %arg2[%dma_wait3A_45, %dma_wait3A_46] : memref<1024x128xf32, #tpu.memory_space<hbm>> -> memref<1024x128xf32, #tpu.memory_space<hbm>>
    tpu.wait_indirect_dma semaphore(%arg12 : memref<!tpu.dma_semaphore, #tpu.memory_space<semaphore_mem>>) src(%dma_wait3A_47 : memref<1024x128xf32, #tpu.memory_space<hbm>>) dst(%arg8 : memref<128x128xf32, #tpu.memory_space<vmem>>)
    %add3A_48 = arith.constant 256 : i32
    %add3A_49 = arith.addi %mul3A_2, %add3A_48 : i32
    %dma_start3A_50 = arith.constant 0 : i32
    %dma_start3A_51 = tpu.memref_slice %arg4[%add3A_49, %dma_start3A_50] : memref<32768x128xf32, #tpu.memory_space<hbm>> -> memref<128x128xf32, #tpu.memory_space<hbm>>
    %dma_start3A_52 = arith.constant 0 : i32
    %dma_start3A_53 = tpu.memref_slice %arg4[%add3A_49, %dma_start3A_52] : memref<32768x128xf32, #tpu.memory_space<hbm>> -> memref<128x128xf32, #tpu.memory_space<hbm>>
    tpu.enqueue_dma source(%arg8 : memref<128x128xf32, #tpu.memory_space<vmem>>) target(%dma_start3A_53 : memref<128x128xf32, #tpu.memory_space<hbm>>) target_semaphore(%arg16 : memref<!tpu.dma_semaphore, #tpu.memory_space<semaphore_mem>>)
    %dma_wait3A_54 = arith.constant 0 : i32
    %dma_wait3A_55 = tpu.memref_slice %arg4[%add3A_17, %dma_wait3A_54] : memref<32768x128xf32, #tpu.memory_space<hbm>> -> memref<128x128xf32, #tpu.memory_space<hbm>>
    %dma_wait3A_56 = arith.constant 0 : i32
    %dma_wait3A_57 = tpu.memref_slice %arg4[%add3A_17, %dma_wait3A_56] : memref<32768x128xf32, #tpu.memory_space<hbm>> -> memref<128x128xf32, #tpu.memory_space<hbm>>
    tpu.wait_dma2 semaphore(%arg14 : memref<!tpu.dma_semaphore, #tpu.memory_space<semaphore_mem>>) src(%arg6 : memref<128x128xf32, #tpu.memory_space<vmem>>) dst(%dma_wait3A_57 : memref<128x128xf32, #tpu.memory_space<hbm>>)
    %dma_start3A_58 = arith.constant 512 : i32
    %dma_start3A_59 = tpu.memref_slice %arg5[%dma_start3A_58] : memref<1024xi32, #tpu.memory_space<vmem>> -> memref<128xi32, #tpu.memory_space<vmem>>
    %dma_start3A_60 = arith.constant 0 : i32
    %dma_start3A_61 = arith.constant 0 : i32
    %dma_start3A_62 = tpu.memref_slice %arg2[%dma_start3A_60, %dma_start3A_61] : memref<1024x128xf32, #tpu.memory_space<hbm>> -> memref<1024x128xf32, #tpu.memory_space<hbm>>
    tpu.enqueue_indirect_dma source(%dma_start3A_62 : memref<1024x128xf32, #tpu.memory_space<hbm>>) target(%arg6 : memref<128x128xf32, #tpu.memory_space<vmem>>) offsets(%dma_start3A_59 : memref<128xi32, #tpu.memory_space<vmem>>) semaphore(%arg10 : memref<!tpu.dma_semaphore, #tpu.memory_space<semaphore_mem>>)
    %dma_wait3A_63 = arith.constant 384 : i32
    %dma_wait3A_64 = tpu.memref_slice %arg5[%dma_wait3A_63] : memref<1024xi32, #tpu.memory_space<vmem>> -> memref<128xi32, #tpu.memory_space<vmem>>
    %dma_wait3A_65 = arith.constant 0 : i32
    %dma_wait3A_66 = arith.constant 0 : i32
    %dma_wait3A_67 = tpu.memref_slice %arg2[%dma_wait3A_65, %dma_wait3A_66] : memref<1024x128xf32, #tpu.memory_space<hbm>> -> memref<1024x128xf32, #tpu.memory_space<hbm>>
    tpu.wait_indirect_dma semaphore(%arg13 : memref<!tpu.dma_semaphore, #tpu.memory_space<semaphore_mem>>) src(%dma_wait3A_67 : memref<1024x128xf32, #tpu.memory_space<hbm>>) dst(%arg9 : memref<128x128xf32, #tpu.memory_space<vmem>>)
    %add3A_68 = arith.constant 384 : i32
    %add3A_69 = arith.addi %mul3A_2, %add3A_68 : i32
    %dma_start3A_70 = arith.constant 0 : i32
    %dma_start3A_71 = tpu.memref_slice %arg4[%add3A_69, %dma_start3A_70] : memref<32768x128xf32, #tpu.memory_space<hbm>> -> memref<128x128xf32, #tpu.memory_space<hbm>>
    %dma_start3A_72 = arith.constant 0 : i32
    %dma_start3A_73 = tpu.memref_slice %arg4[%add3A_69, %dma_start3A_72] : memref<32768x128xf32, #tpu.memory_space<hbm>> -> memref<128x128xf32, #tpu.memory_space<hbm>>
    tpu.enqueue_dma source(%arg9 : memref<128x128xf32, #tpu.memory_space<vmem>>) target(%dma_start3A_73 : memref<128x128xf32, #tpu.memory_space<hbm>>) target_semaphore(%arg17 : memref<!tpu.dma_semaphore, #tpu.memory_space<semaphore_mem>>)
    %dma_wait3A_74 = arith.constant 0 : i32
    %dma_wait3A_75 = tpu.memref_slice %arg4[%add3A_33, %dma_wait3A_74] : memref<32768x128xf32, #tpu.memory_space<hbm>> -> memref<128x128xf32, #tpu.memory_space<hbm>>
    %dma_wait3A_76 = arith.constant 0 : i32
    %dma_wait3A_77 = tpu.memref_slice %arg4[%add3A_33, %dma_wait3A_76] : memref<32768x128xf32, #tpu.memory_space<hbm>> -> memref<128x128xf32, #tpu.memory_space<hbm>>
    tpu.wait_dma2 semaphore(%arg15 : memref<!tpu.dma_semaphore, #tpu.memory_space<semaphore_mem>>) src(%arg7 : memref<128x128xf32, #tpu.memory_space<vmem>>) dst(%dma_wait3A_77 : memref<128x128xf32, #tpu.memory_space<hbm>>)
    %dma_start3A_78 = arith.constant 640 : i32
    %dma_start3A_79 = tpu.memref_slice %arg5[%dma_start3A_78] : memref<1024xi32, #tpu.memory_space<vmem>> -> memref<128xi32, #tpu.memory_space<vmem>>
    %dma_start3A_80 = arith.constant 0 : i32
    %dma_start3A_81 = arith.constant 0 : i32
    %dma_start3A_82 = tpu.memref_slice %arg2[%dma_start3A_80, %dma_start3A_81] : memref<1024x128xf32, #tpu.memory_space<hbm>> -> memref<1024x128xf32, #tpu.memory_space<hbm>>
    tpu.enqueue_indirect_dma source(%dma_start3A_82 : memref<1024x128xf32, #tpu.memory_space<hbm>>) target(%arg7 : memref<128x128xf32, #tpu.memory_space<vmem>>) offsets(%dma_start3A_79 : memref<128xi32, #tpu.memory_space<vmem>>) semaphore(%arg11 : memref<!tpu.dma_semaphore, #tpu.memory_space<semaphore_mem>>)
    %dma_wait3A_83 = arith.constant 512 : i32
    %dma_wait3A_84 = tpu.memref_slice %arg5[%dma_wait3A_83] : memref<1024xi32, #tpu.memory_space<vmem>> -> memref<128xi32, #tpu.memory_space<vmem>>
    %dma_wait3A_85 = arith.constant 0 : i32
    %dma_wait3A_86 = arith.constant 0 : i32
    %dma_wait3A_87 = tpu.memref_slice %arg2[%dma_wait3A_85, %dma_wait3A_86] : memref<1024x128xf32, #tpu.memory_space<hbm>> -> memref<1024x128xf32, #tpu.memory_space<hbm>>
    tpu.wait_indirect_dma semaphore(%arg10 : memref<!tpu.dma_semaphore, #tpu.memory_space<semaphore_mem>>) src(%dma_wait3A_87 : memref<1024x128xf32, #tpu.memory_space<hbm>>) dst(%arg6 : memref<128x128xf32, #tpu.memory_space<vmem>>)
    %add3A_88 = arith.constant 512 : i32
    %add3A_89 = arith.addi %mul3A_2, %add3A_88 : i32
    %dma_start3A_90 = arith.constant 0 : i32
    %dma_start3A_91 = tpu.memref_slice %arg4[%add3A_89, %dma_start3A_90] : memref<32768x128xf32, #tpu.memory_space<hbm>> -> memref<128x128xf32, #tpu.memory_space<hbm>>
    %dma_start3A_92 = arith.constant 0 : i32
    %dma_start3A_93 = tpu.memref_slice %arg4[%add3A_89, %dma_start3A_92] : memref<32768x128xf32, #tpu.memory_space<hbm>> -> memref<128x128xf32, #tpu.memory_space<hbm>>
    tpu.enqueue_dma source(%arg6 : memref<128x128xf32, #tpu.memory_space<vmem>>) target(%dma_start3A_93 : memref<128x128xf32, #tpu.memory_space<hbm>>) target_semaphore(%arg14 : memref<!tpu.dma_semaphore, #tpu.memory_space<semaphore_mem>>)
    %dma_wait3A_94 = arith.constant 0 : i32
    %dma_wait3A_95 = tpu.memref_slice %arg4[%add3A_49, %dma_wait3A_94] : memref<32768x128xf32, #tpu.memory_space<hbm>> -> memref<128x128xf32, #tpu.memory_space<hbm>>
    %dma_wait3A_96 = arith.constant 0 : i32
    %dma_wait3A_97 = tpu.memref_slice %arg4[%add3A_49, %dma_wait3A_96] : memref<32768x128xf32, #tpu.memory_space<hbm>> -> memref<128x128xf32, #tpu.memory_space<hbm>>
    tpu.wait_dma2 semaphore(%arg16 : memref<!tpu.dma_semaphore, #tpu.memory_space<semaphore_mem>>) src(%arg8 : memref<128x128xf32, #tpu.memory_space<vmem>>) dst(%dma_wait3A_97 : memref<128x128xf32, #tpu.memory_space<hbm>>)
    %dma_start3A_98 = arith.constant 768 : i32
    %dma_start3A_99 = tpu.memref_slice %arg5[%dma_start3A_98] : memref<1024xi32, #tpu.memory_space<vmem>> -> memref<128xi32, #tpu.memory_space<vmem>>
    %dma_start3A_100 = arith.constant 0 : i32
    %dma_start3A_101 = arith.constant 0 : i32
    %dma_start3A_102 = tpu.memref_slice %arg2[%dma_start3A_100, %dma_start3A_101] : memref<1024x128xf32, #tpu.memory_space<hbm>> -> memref<1024x128xf32, #tpu.memory_space<hbm>>
    tpu.enqueue_indirect_dma source(%dma_start3A_102 : memref<1024x128xf32, #tpu.memory_space<hbm>>) target(%arg8 : memref<128x128xf32, #tpu.memory_space<vmem>>) offsets(%dma_start3A_99 : memref<128xi32, #tpu.memory_space<vmem>>) semaphore(%arg12 : memref<!tpu.dma_semaphore, #tpu.memory_space<semaphore_mem>>)
    %dma_wait3A_103 = arith.constant 640 : i32
    %dma_wait3A_104 = tpu.memref_slice %arg5[%dma_wait3A_103] : memref<1024xi32, #tpu.memory_space<vmem>> -> memref<128xi32, #tpu.memory_space<vmem>>
    %dma_wait3A_105 = arith.constant 0 : i32
    %dma_wait3A_106 = arith.constant 0 : i32
    %dma_wait3A_107 = tpu.memref_slice %arg2[%dma_wait3A_105, %dma_wait3A_106] : memref<1024x128xf32, #tpu.memory_space<hbm>> -> memref<1024x128xf32, #tpu.memory_space<hbm>>
    tpu.wait_indirect_dma semaphore(%arg11 : memref<!tpu.dma_semaphore, #tpu.memory_space<semaphore_mem>>) src(%dma_wait3A_107 : memref<1024x128xf32, #tpu.memory_space<hbm>>) dst(%arg7 : memref<128x128xf32, #tpu.memory_space<vmem>>)
    %add3A_108 = arith.constant 640 : i32
    %add3A_109 = arith.addi %mul3A_2, %add3A_108 : i32
    %dma_start3A_110 = arith.constant 0 : i32
    %dma_start3A_111 = tpu.memref_slice %arg4[%add3A_109, %dma_start3A_110] : memref<32768x128xf32, #tpu.memory_space<hbm>> -> memref<128x128xf32, #tpu.memory_space<hbm>>
    %dma_start3A_112 = arith.constant 0 : i32
    %dma_start3A_113 = tpu.memref_slice %arg4[%add3A_109, %dma_start3A_112] : memref<32768x128xf32, #tpu.memory_space<hbm>> -> memref<128x128xf32, #tpu.memory_space<hbm>>
    tpu.enqueue_dma source(%arg7 : memref<128x128xf32, #tpu.memory_space<vmem>>) target(%dma_start3A_113 : memref<128x128xf32, #tpu.memory_space<hbm>>) target_semaphore(%arg15 : memref<!tpu.dma_semaphore, #tpu.memory_space<semaphore_mem>>)
    %dma_wait3A_114 = arith.constant 0 : i32
    %dma_wait3A_115 = tpu.memref_slice %arg4[%add3A_69, %dma_wait3A_114] : memref<32768x128xf32, #tpu.memory_space<hbm>> -> memref<128x128xf32, #tpu.memory_space<hbm>>
    %dma_wait3A_116 = arith.constant 0 : i32
    %dma_wait3A_117 = tpu.memref_slice %arg4[%add3A_69, %dma_wait3A_116] : memref<32768x128xf32, #tpu.memory_space<hbm>> -> memref<128x128xf32, #tpu.memory_space<hbm>>
    tpu.wait_dma2 semaphore(%arg17 : memref<!tpu.dma_semaphore, #tpu.memory_space<semaphore_mem>>) src(%arg9 : memref<128x128xf32, #tpu.memory_space<vmem>>) dst(%dma_wait3A_117 : memref<128x128xf32, #tpu.memory_space<hbm>>)
    %dma_start3A_118 = arith.constant 896 : i32
    %dma_start3A_119 = tpu.memref_slice %arg5[%dma_start3A_118] : memref<1024xi32, #tpu.memory_space<vmem>> -> memref<128xi32, #tpu.memory_space<vmem>>
    %dma_start3A_120 = arith.constant 0 : i32
    %dma_start3A_121 = arith.constant 0 : i32
    %dma_start3A_122 = tpu.memref_slice %arg2[%dma_start3A_120, %dma_start3A_121] : memref<1024x128xf32, #tpu.memory_space<hbm>> -> memref<1024x128xf32, #tpu.memory_space<hbm>>
    tpu.enqueue_indirect_dma source(%dma_start3A_122 : memref<1024x128xf32, #tpu.memory_space<hbm>>) target(%arg9 : memref<128x128xf32, #tpu.memory_space<vmem>>) offsets(%dma_start3A_119 : memref<128xi32, #tpu.memory_space<vmem>>) semaphore(%arg13 : memref<!tpu.dma_semaphore, #tpu.memory_space<semaphore_mem>>)
    %dma_wait3A_123 = arith.constant 768 : i32
    %dma_wait3A_124 = tpu.memref_slice %arg5[%dma_wait3A_123] : memref<1024xi32, #tpu.memory_space<vmem>> -> memref<128xi32, #tpu.memory_space<vmem>>
    %dma_wait3A_125 = arith.constant 0 : i32
    %dma_wait3A_126 = arith.constant 0 : i32
    %dma_wait3A_127 = tpu.memref_slice %arg2[%dma_wait3A_125, %dma_wait3A_126] : memref<1024x128xf32, #tpu.memory_space<hbm>> -> memref<1024x128xf32, #tpu.memory_space<hbm>>
    tpu.wait_indirect_dma semaphore(%arg12 : memref<!tpu.dma_semaphore, #tpu.memory_space<semaphore_mem>>) src(%dma_wait3A_127 : memref<1024x128xf32, #tpu.memory_space<hbm>>) dst(%arg8 : memref<128x128xf32, #tpu.memory_space<vmem>>)
    %add3A_128 = arith.constant 768 : i32
    %add3A_129 = arith.addi %mul3A_2, %add3A_128 : i32
    %dma_start3A_130 = arith.constant 0 : i32
    %dma_start3A_131 = tpu.memref_slice %arg4[%add3A_129, %dma_start3A_130] : memref<32768x128xf32, #tpu.memory_space<hbm>> -> memref<128x128xf32, #tpu.memory_space<hbm>>
    %dma_start3A_132 = arith.constant 0 : i32
    %dma_start3A_133 = tpu.memref_slice %arg4[%add3A_129, %dma_start3A_132] : memref<32768x128xf32, #tpu.memory_space<hbm>> -> memref<128x128xf32, #tpu.memory_space<hbm>>
    tpu.enqueue_dma source(%arg8 : memref<128x128xf32, #tpu.memory_space<vmem>>) target(%dma_start3A_133 : memref<128x128xf32, #tpu.memory_space<hbm>>) target_semaphore(%arg16 : memref<!tpu.dma_semaphore, #tpu.memory_space<semaphore_mem>>)
    %dma_wait3A_134 = arith.constant 896 : i32
    %dma_wait3A_135 = tpu.memref_slice %arg5[%dma_wait3A_134] : memref<1024xi32, #tpu.memory_space<vmem>> -> memref<128xi32, #tpu.memory_space<vmem>>
    %dma_wait3A_136 = arith.constant 0 : i32
    %dma_wait3A_137 = arith.constant 0 : i32
    %dma_wait3A_138 = tpu.memref_slice %arg2[%dma_wait3A_136, %dma_wait3A_137] : memref<1024x128xf32, #tpu.memory_space<hbm>> -> memref<1024x128xf32, #tpu.memory_space<hbm>>
    tpu.wait_indirect_dma semaphore(%arg13 : memref<!tpu.dma_semaphore, #tpu.memory_space<semaphore_mem>>) src(%dma_wait3A_138 : memref<1024x128xf32, #tpu.memory_space<hbm>>) dst(%arg9 : memref<128x128xf32, #tpu.memory_space<vmem>>)
    %add3A_139 = arith.constant 896 : i32
    %add3A_140 = arith.addi %mul3A_2, %add3A_139 : i32
    %dma_start3A_141 = arith.constant 0 : i32
    %dma_start3A_142 = tpu.memref_slice %arg4[%add3A_140, %dma_start3A_141] : memref<32768x128xf32, #tpu.memory_space<hbm>> -> memref<128x128xf32, #tpu.memory_space<hbm>>
    %dma_start3A_143 = arith.constant 0 : i32
    %dma_start3A_144 = tpu.memref_slice %arg4[%add3A_140, %dma_start3A_143] : memref<32768x128xf32, #tpu.memory_space<hbm>> -> memref<128x128xf32, #tpu.memory_space<hbm>>
    tpu.enqueue_dma source(%arg9 : memref<128x128xf32, #tpu.memory_space<vmem>>) target(%dma_start3A_144 : memref<128x128xf32, #tpu.memory_space<hbm>>) target_semaphore(%arg17 : memref<!tpu.dma_semaphore, #tpu.memory_space<semaphore_mem>>)
    %dma_wait3A_145 = arith.constant 0 : i32
    %dma_wait3A_146 = tpu.memref_slice %arg4[%add3A_89, %dma_wait3A_145] : memref<32768x128xf32, #tpu.memory_space<hbm>> -> memref<128x128xf32, #tpu.memory_space<hbm>>
    %dma_wait3A_147 = arith.constant 0 : i32
    %dma_wait3A_148 = tpu.memref_slice %arg4[%add3A_89, %dma_wait3A_147] : memref<32768x128xf32, #tpu.memory_space<hbm>> -> memref<128x128xf32, #tpu.memory_space<hbm>>
    tpu.wait_dma2 semaphore(%arg14 : memref<!tpu.dma_semaphore, #tpu.memory_space<semaphore_mem>>) src(%arg6 : memref<128x128xf32, #tpu.memory_space<vmem>>) dst(%dma_wait3A_148 : memref<128x128xf32, #tpu.memory_space<hbm>>)
    %dma_wait3A_149 = arith.constant 0 : i32
    %dma_wait3A_150 = tpu.memref_slice %arg4[%add3A_109, %dma_wait3A_149] : memref<32768x128xf32, #tpu.memory_space<hbm>> -> memref<128x128xf32, #tpu.memory_space<hbm>>
    %dma_wait3A_151 = arith.constant 0 : i32
    %dma_wait3A_152 = tpu.memref_slice %arg4[%add3A_109, %dma_wait3A_151] : memref<32768x128xf32, #tpu.memory_space<hbm>> -> memref<128x128xf32, #tpu.memory_space<hbm>>
    tpu.wait_dma2 semaphore(%arg15 : memref<!tpu.dma_semaphore, #tpu.memory_space<semaphore_mem>>) src(%arg7 : memref<128x128xf32, #tpu.memory_space<vmem>>) dst(%dma_wait3A_152 : memref<128x128xf32, #tpu.memory_space<hbm>>)
    %dma_wait3A_153 = arith.constant 0 : i32
    %dma_wait3A_154 = tpu.memref_slice %arg4[%add3A_129, %dma_wait3A_153] : memref<32768x128xf32, #tpu.memory_space<hbm>> -> memref<128x128xf32, #tpu.memory_space<hbm>>
    %dma_wait3A_155 = arith.constant 0 : i32
    %dma_wait3A_156 = tpu.memref_slice %arg4[%add3A_129, %dma_wait3A_155] : memref<32768x128xf32, #tpu.memory_space<hbm>> -> memref<128x128xf32, #tpu.memory_space<hbm>>
    tpu.wait_dma2 semaphore(%arg16 : memref<!tpu.dma_semaphore, #tpu.memory_space<semaphore_mem>>) src(%arg8 : memref<128x128xf32, #tpu.memory_space<vmem>>) dst(%dma_wait3A_156 : memref<128x128xf32, #tpu.memory_space<hbm>>)
    %dma_wait3A_157 = arith.constant 0 : i32
    %dma_wait3A_158 = tpu.memref_slice %arg4[%add3A_140, %dma_wait3A_157] : memref<32768x128xf32, #tpu.memory_space<hbm>> -> memref<128x128xf32, #tpu.memory_space<hbm>>
    %dma_wait3A_159 = arith.constant 0 : i32
    %dma_wait3A_160 = tpu.memref_slice %arg4[%add3A_140, %dma_wait3A_159] : memref<32768x128xf32, #tpu.memory_space<hbm>> -> memref<128x128xf32, #tpu.memory_space<hbm>>
    tpu.wait_dma2 semaphore(%arg17 : memref<!tpu.dma_semaphore, #tpu.memory_space<semaphore_mem>>) src(%arg9 : memref<128x128xf32, #tpu.memory_space<vmem>>) dst(%dma_wait3A_160 : memref<128x128xf32, #tpu.memory_space<hbm>>)
    return
  }
}

#map = affine_map<(d0, d1) -> (0, 0)>
#map1 = affine_map<(d0, d1) -> (0)>
module attributes {stable_mosaic.version = 14 : i64} {
  func.func @k(%arg0: i32, %arg1: i32, %arg2: memref<1024x128xf32, #tpu.memory_space<hbm>>, %arg3: memref<32768xi32, #tpu.memory_space<hbm>>, %arg4: memref<32768x128xf32, #tpu.memory_space<hbm>>, %arg5: memref<1024xi32, #tpu.memory_space<vmem>>, %arg6: memref<128x128xf32, #tpu.memory_space<vmem>>, %arg7: memref<128x128xf32, #tpu.memory_space<vmem>>, %arg8: memref<128x128xf32, #tpu.memory_space<vmem>>, %arg9: memref<128x128xf32, #tpu.memory_space<vmem>>, %arg10: memref<!tpu.dma_semaphore, #tpu.memory_space<semaphore_mem>>, %arg11: memref<!tpu.dma_semaphore, #tpu.memory_space<semaphore_mem>>, %arg12: memref<!tpu.dma_semaphore, #tpu.memory_space<semaphore_mem>>, %arg13: memref<!tpu.dma_semaphore, #tpu.memory_space<semaphore_mem>>, %arg14: memref<!tpu.dma_semaphore, #tpu.memory_space<semaphore_mem>>, %arg15: memref<!tpu.dma_semaphore, #tpu.memory_space<semaphore_mem>>, %arg16: memref<!tpu.dma_semaphore, #tpu.memory_space<semaphore_mem>>, %arg17: memref<!tpu.dma_semaphore, #tpu.memory_space<semaphore_mem>>) attributes {dimension_semantics = [#tpu.dimension_semantics<core_parallel>, #tpu.dimension_semantics<subcore_parallel>], iteration_bounds = array<i64: 2, 16>, scalar_prefetch = 0 : i64, scratch_operands = 13 : i64, tpu.core_type = #tpu.core_type<sc_vector_subcore>, window_params = [{transform_indices = #map}, {transform_indices = #map1}, {transform_indices = #map}]} {
    %mul3A = arith.constant 2 : i32
    %mul3A_0 = arith.muli %arg1, %mul3A : i32
    %add3A = arith.addi %mul3A_0, %arg0 : i32
    %mul3A_1 = arith.constant 1024 : i32
    %mul3A_2 = arith.muli %add3A, %mul3A_1 : i32
    "tpu.region"() ({
      %run_scoped3A = tpu.sem_alloc : memref<!tpu.dma_semaphore, #tpu.memory_space<semaphore_mem>>
      %dma_start3A_161 = tpu.memref_slice %arg3[%mul3A_2] : memref<32768xi32, #tpu.memory_space<hbm>> -> memref<1024xi32, #tpu.memory_space<hbm>>
      %dma_start3A_162 = tpu.memref_slice %arg3[%mul3A_2] : memref<32768xi32, #tpu.memory_space<hbm>> -> memref<1024xi32, #tpu.memory_space<hbm>>
      tpu.enqueue_dma source(%dma_start3A_162 : memref<1024xi32, #tpu.memory_space<hbm>>) target(%arg5 : memref<1024xi32, #tpu.memory_space<vmem>>) target_semaphore(%run_scoped3A : memref<!tpu.dma_semaphore, #tpu.memory_space<semaphore_mem>>)
      %dma_wait3A_163 = tpu.memref_slice %arg3[%mul3A_2] : memref<32768xi32, #tpu.memory_space<hbm>> -> memref<1024xi32, #tpu.memory_space<hbm>>
      %dma_wait3A_164 = tpu.memref_slice %arg3[%mul3A_2] : memref<32768xi32, #tpu.memory_space<hbm>> -> memref<1024xi32, #tpu.memory_space<hbm>>
      tpu.wait_dma2 semaphore(%run_scoped3A : memref<!tpu.dma_semaphore, #tpu.memory_space<semaphore_mem>>) src(%dma_wait3A_164 : memref<1024xi32, #tpu.memory_space<hbm>>) dst(%arg5 : memref<1024xi32, #tpu.memory_space<vmem>>)
      tpu.yield
    }) : () -> ()
    %dma_start3A = arith.constant 0 : i32
    %dma_start3A_3 = tpu.memref_slice %arg5[%dma_start3A] : memref<1024xi32, #tpu.memory_space<vmem>> -> memref<128xi32, #tpu.memory_space<vmem>>
    %dma_start3A_4 = arith.constant 0 : i32
    %dma_start3A_5 = arith.constant 0 : i32
    %dma_start3A_6 = tpu.memref_slice %arg2[%dma_start3A_4, %dma_start3A_5] : memref<1024x128xf32, #tpu.memory_space<hbm>> -> memref<1024x128xf32, #tpu.memory_space<hbm>>
    tpu.enqueue_indirect_dma source(%dma_start3A_6 : memref<1024x128xf32, #tpu.memory_space<hbm>>) target(%arg6 : memref<128x128xf32, #tpu.memory_space<vmem>>) offsets(%dma_start3A_3 : memref<128xi32, #tpu.memory_space<vmem>>) semaphore(%arg10 : memref<!tpu.dma_semaphore, #tpu.memory_space<semaphore_mem>>)
    %dma_start3A_7 = arith.constant 128 : i32
    %dma_start3A_8 = tpu.memref_slice %arg5[%dma_start3A_7] : memref<1024xi32, #tpu.memory_space<vmem>> -> memref<128xi32, #tpu.memory_space<vmem>>
    %dma_start3A_9 = arith.constant 0 : i32
    %dma_start3A_10 = arith.constant 0 : i32
    %dma_start3A_11 = tpu.memref_slice %arg2[%dma_start3A_9, %dma_start3A_10] : memref<1024x128xf32, #tpu.memory_space<hbm>> -> memref<1024x128xf32, #tpu.memory_space<hbm>>
    tpu.enqueue_indirect_dma source(%dma_start3A_11 : memref<1024x128xf32, #tpu.memory_space<hbm>>) target(%arg7 : memref<128x128xf32, #tpu.memory_space<vmem>>) offsets(%dma_start3A_8 : memref<128xi32, #tpu.memory_space<vmem>>) semaphore(%arg11 : memref<!tpu.dma_semaphore, #tpu.memory_space<semaphore_mem>>)
    %dma_wait3A = arith.constant 0 : i32
    %dma_wait3A_12 = tpu.memref_slice %arg5[%dma_wait3A] : memref<1024xi32, #tpu.memory_space<vmem>> -> memref<128xi32, #tpu.memory_space<vmem>>
    %dma_wait3A_13 = arith.constant 0 : i32
    %dma_wait3A_14 = arith.constant 0 : i32
    %dma_wait3A_15 = tpu.memref_slice %arg2[%dma_wait3A_13, %dma_wait3A_14] : memref<1024x128xf32, #tpu.memory_space<hbm>> -> memref<1024x128xf32, #tpu.memory_space<hbm>>
    tpu.wait_indirect_dma semaphore(%arg10 : memref<!tpu.dma_semaphore, #tpu.memory_space<semaphore_mem>>) src(%dma_wait3A_15 : memref<1024x128xf32, #tpu.memory_space<hbm>>) dst(%arg6 : memref<128x128xf32, #tpu.memory_space<vmem>>)
    %add3A_16 = arith.constant 0 : i32
    %add3A_17 = arith.addi %mul3A_2, %add3A_16 : i32
    %dma_start3A_18 = arith.constant 0 : i32
    %dma_start3A_19 = tpu.memref_slice %arg4[%add3A_17, %dma_start3A_18] : memref<32768x128xf32, #tpu.memory_space<hbm>> -> memref<128x128xf32, #tpu.memory_space<hbm>>
    %dma_start3A_20 = arith.constant 0 : i32
    %dma_start3A_21 = tpu.memref_slice %arg4[%add3A_17, %dma_start3A_20] : memref<32768x128xf32, #tpu.memory_space<hbm>> -> memref<128x128xf32, #tpu.memory_space<hbm>>
    tpu.enqueue_dma source(%arg6 : memref<128x128xf32, #tpu.memory_space<vmem>>) target(%dma_start3A_21 : memref<128x128xf32, #tpu.memory_space<hbm>>) target_semaphore(%arg14 : memref<!tpu.dma_semaphore, #tpu.memory_space<semaphore_mem>>)
    %dma_start3A_22 = arith.constant 256 : i32
    %dma_start3A_23 = tpu.memref_slice %arg5[%dma_start3A_22] : memref<1024xi32, #tpu.memory_space<vmem>> -> memref<128xi32, #tpu.memory_space<vmem>>
    %dma_start3A_24 = arith.constant 0 : i32
    %dma_start3A_25 = arith.constant 0 : i32
    %dma_start3A_26 = tpu.memref_slice %arg2[%dma_start3A_24, %dma_start3A_25] : memref<1024x128xf32, #tpu.memory_space<hbm>> -> memref<1024x128xf32, #tpu.memory_space<hbm>>
    tpu.enqueue_indirect_dma source(%dma_start3A_26 : memref<1024x128xf32, #tpu.memory_space<hbm>>) target(%arg8 : memref<128x128xf32, #tpu.memory_space<vmem>>) offsets(%dma_start3A_23 : memref<128xi32, #tpu.memory_space<vmem>>) semaphore(%arg12 : memref<!tpu.dma_semaphore, #tpu.memory_space<semaphore_mem>>)
    %dma_wait3A_27 = arith.constant 128 : i32
    %dma_wait3A_28 = tpu.memref_slice %arg5[%dma_wait3A_27] : memref<1024xi32, #tpu.memory_space<vmem>> -> memref<128xi32, #tpu.memory_space<vmem>>
    %dma_wait3A_29 = arith.constant 0 : i32
    %dma_wait3A_30 = arith.constant 0 : i32
    %dma_wait3A_31 = tpu.memref_slice %arg2[%dma_wait3A_29, %dma_wait3A_30] : memref<1024x128xf32, #tpu.memory_space<hbm>> -> memref<1024x128xf32, #tpu.memory_space<hbm>>
    tpu.wait_indirect_dma semaphore(%arg11 : memref<!tpu.dma_semaphore, #tpu.memory_space<semaphore_mem>>) src(%dma_wait3A_31 : memref<1024x128xf32, #tpu.memory_space<hbm>>) dst(%arg7 : memref<128x128xf32, #tpu.memory_space<vmem>>)
    %add3A_32 = arith.constant 128 : i32
    %add3A_33 = arith.addi %mul3A_2, %add3A_32 : i32
    %dma_start3A_34 = arith.constant 0 : i32
    %dma_start3A_35 = tpu.memref_slice %arg4[%add3A_33, %dma_start3A_34] : memref<32768x128xf32, #tpu.memory_space<hbm>> -> memref<128x128xf32, #tpu.memory_space<hbm>>
    %dma_start3A_36 = arith.constant 0 : i32
    %dma_start3A_37 = tpu.memref_slice %arg4[%add3A_33, %dma_start3A_36] : memref<32768x128xf32, #tpu.memory_space<hbm>> -> memref<128x128xf32, #tpu.memory_space<hbm>>
    tpu.enqueue_dma source(%arg7 : memref<128x128xf32, #tpu.memory_space<vmem>>) target(%dma_start3A_37 : memref<128x128xf32, #tpu.memory_space<hbm>>) target_semaphore(%arg15 : memref<!tpu.dma_semaphore, #tpu.memory_space<semaphore_mem>>)
    %dma_start3A_38 = arith.constant 384 : i32
    %dma_start3A_39 = tpu.memref_slice %arg5[%dma_start3A_38] : memref<1024xi32, #tpu.memory_space<vmem>> -> memref<128xi32, #tpu.memory_space<vmem>>
    %dma_start3A_40 = arith.constant 0 : i32
    %dma_start3A_41 = arith.constant 0 : i32
    %dma_start3A_42 = tpu.memref_slice %arg2[%dma_start3A_40, %dma_start3A_41] : memref<1024x128xf32, #tpu.memory_space<hbm>> -> memref<1024x128xf32, #tpu.memory_space<hbm>>
    tpu.enqueue_indirect_dma source(%dma_start3A_42 : memref<1024x128xf32, #tpu.memory_space<hbm>>) target(%arg9 : memref<128x128xf32, #tpu.memory_space<vmem>>) offsets(%dma_start3A_39 : memref<128xi32, #tpu.memory_space<vmem>>) semaphore(%arg13 : memref<!tpu.dma_semaphore, #tpu.memory_space<semaphore_mem>>)
    %dma_wait3A_43 = arith.constant 256 : i32
    %dma_wait3A_44 = tpu.memref_slice %arg5[%dma_wait3A_43] : memref<1024xi32, #tpu.memory_space<vmem>> -> memref<128xi32, #tpu.memory_space<vmem>>
    %dma_wait3A_45 = arith.constant 0 : i32
    %dma_wait3A_46 = arith.constant 0 : i32
    %dma_wait3A_47 = tpu.memref_slice %arg2[%dma_wait3A_45, %dma_wait3A_46] : memref<1024x128xf32, #tpu.memory_space<hbm>> -> memref<1024x128xf32, #tpu.memory_space<hbm>>
    tpu.wait_indirect_dma semaphore(%arg12 : memref<!tpu.dma_semaphore, #tpu.memory_space<semaphore_mem>>) src(%dma_wait3A_47 : memref<1024x128xf32, #tpu.memory_space<hbm>>) dst(%arg8 : memref<128x128xf32, #tpu.memory_space<vmem>>)
    %add3A_48 = arith.constant 256 : i32
    %add3A_49 = arith.addi %mul3A_2, %add3A_48 : i32
    %dma_start3A_50 = arith.constant 0 : i32
    %dma_start3A_51 = tpu.memref_slice %arg4[%add3A_49, %dma_start3A_50] : memref<32768x128xf32, #tpu.memory_space<hbm>> -> memref<128x128xf32, #tpu.memory_space<hbm>>
    %dma_start3A_52 = arith.constant 0 : i32
    %dma_start3A_53 = tpu.memref_slice %arg4[%add3A_49, %dma_start3A_52] : memref<32768x128xf32, #tpu.memory_space<hbm>> -> memref<128x128xf32, #tpu.memory_space<hbm>>
    tpu.enqueue_dma source(%arg8 : memref<128x128xf32, #tpu.memory_space<vmem>>) target(%dma_start3A_53 : memref<128x128xf32, #tpu.memory_space<hbm>>) target_semaphore(%arg16 : memref<!tpu.dma_semaphore, #tpu.memory_space<semaphore_mem>>)
    %dma_wait3A_54 = arith.constant 0 : i32
    %dma_wait3A_55 = tpu.memref_slice %arg4[%add3A_17, %dma_wait3A_54] : memref<32768x128xf32, #tpu.memory_space<hbm>> -> memref<128x128xf32, #tpu.memory_space<hbm>>
    %dma_wait3A_56 = arith.constant 0 : i32
    %dma_wait3A_57 = tpu.memref_slice %arg4[%add3A_17, %dma_wait3A_56] : memref<32768x128xf32, #tpu.memory_space<hbm>> -> memref<128x128xf32, #tpu.memory_space<hbm>>
    tpu.wait_dma2 semaphore(%arg14 : memref<!tpu.dma_semaphore, #tpu.memory_space<semaphore_mem>>) src(%arg6 : memref<128x128xf32, #tpu.memory_space<vmem>>) dst(%dma_wait3A_57 : memref<128x128xf32, #tpu.memory_space<hbm>>)
    %dma_start3A_58 = arith.constant 512 : i32
    %dma_start3A_59 = tpu.memref_slice %arg5[%dma_start3A_58] : memref<1024xi32, #tpu.memory_space<vmem>> -> memref<128xi32, #tpu.memory_space<vmem>>
    %dma_start3A_60 = arith.constant 0 : i32
    %dma_start3A_61 = arith.constant 0 : i32
    %dma_start3A_62 = tpu.memref_slice %arg2[%dma_start3A_60, %dma_start3A_61] : memref<1024x128xf32, #tpu.memory_space<hbm>> -> memref<1024x128xf32, #tpu.memory_space<hbm>>
    tpu.enqueue_indirect_dma source(%dma_start3A_62 : memref<1024x128xf32, #tpu.memory_space<hbm>>) target(%arg6 : memref<128x128xf32, #tpu.memory_space<vmem>>) offsets(%dma_start3A_59 : memref<128xi32, #tpu.memory_space<vmem>>) semaphore(%arg10 : memref<!tpu.dma_semaphore, #tpu.memory_space<semaphore_mem>>)
    %dma_wait3A_63 = arith.constant 384 : i32
    %dma_wait3A_64 = tpu.memref_slice %arg5[%dma_wait3A_63] : memref<1024xi32, #tpu.memory_space<vmem>> -> memref<128xi32, #tpu.memory_space<vmem>>
    %dma_wait3A_65 = arith.constant 0 : i32
    %dma_wait3A_66 = arith.constant 0 : i32
    %dma_wait3A_67 = tpu.memref_slice %arg2[%dma_wait3A_65, %dma_wait3A_66] : memref<1024x128xf32, #tpu.memory_space<hbm>> -> memref<1024x128xf32, #tpu.memory_space<hbm>>
    tpu.wait_indirect_dma semaphore(%arg13 : memref<!tpu.dma_semaphore, #tpu.memory_space<semaphore_mem>>) src(%dma_wait3A_67 : memref<1024x128xf32, #tpu.memory_space<hbm>>) dst(%arg9 : memref<128x128xf32, #tpu.memory_space<vmem>>)
    %add3A_68 = arith.constant 384 : i32
    %add3A_69 = arith.addi %mul3A_2, %add3A_68 : i32
    %dma_start3A_70 = arith.constant 0 : i32
    %dma_start3A_71 = tpu.memref_slice %arg4[%add3A_69, %dma_start3A_70] : memref<32768x128xf32, #tpu.memory_space<hbm>> -> memref<128x128xf32, #tpu.memory_space<hbm>>
    %dma_start3A_72 = arith.constant 0 : i32
    %dma_start3A_73 = tpu.memref_slice %arg4[%add3A_69, %dma_start3A_72] : memref<32768x128xf32, #tpu.memory_space<hbm>> -> memref<128x128xf32, #tpu.memory_space<hbm>>
    tpu.enqueue_dma source(%arg9 : memref<128x128xf32, #tpu.memory_space<vmem>>) target(%dma_start3A_73 : memref<128x128xf32, #tpu.memory_space<hbm>>) target_semaphore(%arg17 : memref<!tpu.dma_semaphore, #tpu.memory_space<semaphore_mem>>)
    %dma_wait3A_74 = arith.constant 0 : i32
    %dma_wait3A_75 = tpu.memref_slice %arg4[%add3A_33, %dma_wait3A_74] : memref<32768x128xf32, #tpu.memory_space<hbm>> -> memref<128x128xf32, #tpu.memory_space<hbm>>
    %dma_wait3A_76 = arith.constant 0 : i32
    %dma_wait3A_77 = tpu.memref_slice %arg4[%add3A_33, %dma_wait3A_76] : memref<32768x128xf32, #tpu.memory_space<hbm>> -> memref<128x128xf32, #tpu.memory_space<hbm>>
    tpu.wait_dma2 semaphore(%arg15 : memref<!tpu.dma_semaphore, #tpu.memory_space<semaphore_mem>>) src(%arg7 : memref<128x128xf32, #tpu.memory_space<vmem>>) dst(%dma_wait3A_77 : memref<128x128xf32, #tpu.memory_space<hbm>>)
    %dma_start3A_78 = arith.constant 640 : i32
    %dma_start3A_79 = tpu.memref_slice %arg5[%dma_start3A_78] : memref<1024xi32, #tpu.memory_space<vmem>> -> memref<128xi32, #tpu.memory_space<vmem>>
    %dma_start3A_80 = arith.constant 0 : i32
    %dma_start3A_81 = arith.constant 0 : i32
    %dma_start3A_82 = tpu.memref_slice %arg2[%dma_start3A_80, %dma_start3A_81] : memref<1024x128xf32, #tpu.memory_space<hbm>> -> memref<1024x128xf32, #tpu.memory_space<hbm>>
    tpu.enqueue_indirect_dma source(%dma_start3A_82 : memref<1024x128xf32, #tpu.memory_space<hbm>>) target(%arg7 : memref<128x128xf32, #tpu.memory_space<vmem>>) offsets(%dma_start3A_79 : memref<128xi32, #tpu.memory_space<vmem>>) semaphore(%arg11 : memref<!tpu.dma_semaphore, #tpu.memory_space<semaphore_mem>>)
    %dma_wait3A_83 = arith.constant 512 : i32
    %dma_wait3A_84 = tpu.memref_slice %arg5[%dma_wait3A_83] : memref<1024xi32, #tpu.memory_space<vmem>> -> memref<128xi32, #tpu.memory_space<vmem>>
    %dma_wait3A_85 = arith.constant 0 : i32
    %dma_wait3A_86 = arith.constant 0 : i32
    %dma_wait3A_87 = tpu.memref_slice %arg2[%dma_wait3A_85, %dma_wait3A_86] : memref<1024x128xf32, #tpu.memory_space<hbm>> -> memref<1024x128xf32, #tpu.memory_space<hbm>>
    tpu.wait_indirect_dma semaphore(%arg10 : memref<!tpu.dma_semaphore, #tpu.memory_space<semaphore_mem>>) src(%dma_wait3A_87 : memref<1024x128xf32, #tpu.memory_space<hbm>>) dst(%arg6 : memref<128x128xf32, #tpu.memory_space<vmem>>)
    %add3A_88 = arith.constant 512 : i32
    %add3A_89 = arith.addi %mul3A_2, %add3A_88 : i32
    %dma_start3A_90 = arith.constant 0 : i32
    %dma_start3A_91 = tpu.memref_slice %arg4[%add3A_89, %dma_start3A_90] : memref<32768x128xf32, #tpu.memory_space<hbm>> -> memref<128x128xf32, #tpu.memory_space<hbm>>
    %dma_start3A_92 = arith.constant 0 : i32
    %dma_start3A_93 = tpu.memref_slice %arg4[%add3A_89, %dma_start3A_92] : memref<32768x128xf32, #tpu.memory_space<hbm>> -> memref<128x128xf32, #tpu.memory_space<hbm>>
    tpu.enqueue_dma source(%arg6 : memref<128x128xf32, #tpu.memory_space<vmem>>) target(%dma_start3A_93 : memref<128x128xf32, #tpu.memory_space<hbm>>) target_semaphore(%arg14 : memref<!tpu.dma_semaphore, #tpu.memory_space<semaphore_mem>>)
    %dma_wait3A_94 = arith.constant 0 : i32
    %dma_wait3A_95 = tpu.memref_slice %arg4[%add3A_49, %dma_wait3A_94] : memref<32768x128xf32, #tpu.memory_space<hbm>> -> memref<128x128xf32, #tpu.memory_space<hbm>>
    %dma_wait3A_96 = arith.constant 0 : i32
    %dma_wait3A_97 = tpu.memref_slice %arg4[%add3A_49, %dma_wait3A_96] : memref<32768x128xf32, #tpu.memory_space<hbm>> -> memref<128x128xf32, #tpu.memory_space<hbm>>
    tpu.wait_dma2 semaphore(%arg16 : memref<!tpu.dma_semaphore, #tpu.memory_space<semaphore_mem>>) src(%arg8 : memref<128x128xf32, #tpu.memory_space<vmem>>) dst(%dma_wait3A_97 : memref<128x128xf32, #tpu.memory_space<hbm>>)
    %dma_start3A_98 = arith.constant 768 : i32
    %dma_start3A_99 = tpu.memref_slice %arg5[%dma_start3A_98] : memref<1024xi32, #tpu.memory_space<vmem>> -> memref<128xi32, #tpu.memory_space<vmem>>
    %dma_start3A_100 = arith.constant 0 : i32
    %dma_start3A_101 = arith.constant 0 : i32
    %dma_start3A_102 = tpu.memref_slice %arg2[%dma_start3A_100, %dma_start3A_101] : memref<1024x128xf32, #tpu.memory_space<hbm>> -> memref<1024x128xf32, #tpu.memory_space<hbm>>
    tpu.enqueue_indirect_dma source(%dma_start3A_102 : memref<1024x128xf32, #tpu.memory_space<hbm>>) target(%arg8 : memref<128x128xf32, #tpu.memory_space<vmem>>) offsets(%dma_start3A_99 : memref<128xi32, #tpu.memory_space<vmem>>) semaphore(%arg12 : memref<!tpu.dma_semaphore, #tpu.memory_space<semaphore_mem>>)
    %dma_wait3A_103 = arith.constant 640 : i32
    %dma_wait3A_104 = tpu.memref_slice %arg5[%dma_wait3A_103] : memref<1024xi32, #tpu.memory_space<vmem>> -> memref<128xi32, #tpu.memory_space<vmem>>
    %dma_wait3A_105 = arith.constant 0 : i32
    %dma_wait3A_106 = arith.constant 0 : i32
    %dma_wait3A_107 = tpu.memref_slice %arg2[%dma_wait3A_105, %dma_wait3A_106] : memref<1024x128xf32, #tpu.memory_space<hbm>> -> memref<1024x128xf32, #tpu.memory_space<hbm>>
    tpu.wait_indirect_dma semaphore(%arg11 : memref<!tpu.dma_semaphore, #tpu.memory_space<semaphore_mem>>) src(%dma_wait3A_107 : memref<1024x128xf32, #tpu.memory_space<hbm>>) dst(%arg7 : memref<128x128xf32, #tpu.memory_space<vmem>>)
    %add3A_108 = arith.constant 640 : i32
    %add3A_109 = arith.addi %mul3A_2, %add3A_108 : i32
    %dma_start3A_110 = arith.constant 0 : i32
    %dma_start3A_111 = tpu.memref_slice %arg4[%add3A_109, %dma_start3A_110] : memref<32768x128xf32, #tpu.memory_space<hbm>> -> memref<128x128xf32, #tpu.memory_space<hbm>>
    %dma_start3A_112 = arith.constant 0 : i32
    %dma_start3A_113 = tpu.memref_slice %arg4[%add3A_109, %dma_start3A_112] : memref<32768x128xf32, #tpu.memory_space<hbm>> -> memref<128x128xf32, #tpu.memory_space<hbm>>
    tpu.enqueue_dma source(%arg7 : memref<128x128xf32, #tpu.memory_space<vmem>>) target(%dma_start3A_113 : memref<128x128xf32, #tpu.memory_space<hbm>>) target_semaphore(%arg15 : memref<!tpu.dma_semaphore, #tpu.memory_space<semaphore_mem>>)
    %dma_wait3A_114 = arith.constant 0 : i32
    %dma_wait3A_115 = tpu.memref_slice %arg4[%add3A_69, %dma_wait3A_114] : memref<32768x128xf32, #tpu.memory_space<hbm>> -> memref<128x128xf32, #tpu.memory_space<hbm>>
    %dma_wait3A_116 = arith.constant 0 : i32
    %dma_wait3A_117 = tpu.memref_slice %arg4[%add3A_69, %dma_wait3A_116] : memref<32768x128xf32, #tpu.memory_space<hbm>> -> memref<128x128xf32, #tpu.memory_space<hbm>>
    tpu.wait_dma2 semaphore(%arg17 : memref<!tpu.dma_semaphore, #tpu.memory_space<semaphore_mem>>) src(%arg9 : memref<128x128xf32, #tpu.memory_space<vmem>>) dst(%dma_wait3A_117 : memref<128x128xf32, #tpu.memory_space<hbm>>)
    %dma_start3A_118 = arith.constant 896 : i32
    %dma_start3A_119 = tpu.memref_slice %arg5[%dma_start3A_118] : memref<1024xi32, #tpu.memory_space<vmem>> -> memref<128xi32, #tpu.memory_space<vmem>>
    %dma_start3A_120 = arith.constant 0 : i32
    %dma_start3A_121 = arith.constant 0 : i32
    %dma_start3A_122 = tpu.memref_slice %arg2[%dma_start3A_120, %dma_start3A_121] : memref<1024x128xf32, #tpu.memory_space<hbm>> -> memref<1024x128xf32, #tpu.memory_space<hbm>>
    tpu.enqueue_indirect_dma source(%dma_start3A_122 : memref<1024x128xf32, #tpu.memory_space<hbm>>) target(%arg9 : memref<128x128xf32, #tpu.memory_space<vmem>>) offsets(%dma_start3A_119 : memref<128xi32, #tpu.memory_space<vmem>>) semaphore(%arg13 : memref<!tpu.dma_semaphore, #tpu.memory_space<semaphore_mem>>)
    %dma_wait3A_123 = arith.constant 768 : i32
    %dma_wait3A_124 = tpu.memref_slice %arg5[%dma_wait3A_123] : memref<1024xi32, #tpu.memory_space<vmem>> -> memref<128xi32, #tpu.memory_space<vmem>>
    %dma_wait3A_125 = arith.constant 0 : i32
    %dma_wait3A_126 = arith.constant 0 : i32
    %dma_wait3A_127 = tpu.memref_slice %arg2[%dma_wait3A_125, %dma_wait3A_126] : memref<1024x128xf32, #tpu.memory_space<hbm>> -> memref<1024x128xf32, #tpu.memory_space<hbm>>
    tpu.wait_indirect_dma semaphore(%arg12 : memref<!tpu.dma_semaphore, #tpu.memory_space<semaphore_mem>>) src(%dma_wait3A_127 : memref<1024x128xf32, #tpu.memory_space<hbm>>) dst(%arg8 : memref<128x128xf32, #tpu.memory_space<vmem>>)
    %add3A_128 = arith.constant 768 : i32
    %add3A_129 = arith.addi %mul3A_2, %add3A_128 : i32
    %dma_start3A_130 = arith.constant 0 : i32
    %dma_start3A_131 = tpu.memref_slice %arg4[%add3A_129, %dma_start3A_130] : memref<32768x128xf32, #tpu.memory_space<hbm>> -> memref<128x128xf32, #tpu.memory_space<hbm>>
    %dma_start3A_132 = arith.constant 0 : i32
    %dma_start3A_133 = tpu.memref_slice %arg4[%add3A_129, %dma_start3A_132] : memref<32768x128xf32, #tpu.memory_space<hbm>> -> memref<128x128xf32, #tpu.memory_space<hbm>>
    tpu.enqueue_dma source(%arg8 : memref<128x128xf32, #tpu.memory_space<vmem>>) target(%dma_start3A_133 : memref<128x128xf32, #tpu.memory_space<hbm>>) target_semaphore(%arg16 : memref<!tpu.dma_semaphore, #tpu.memory_space<semaphore_mem>>)
    %dma_wait3A_134 = arith.constant 896 : i32
    %dma_wait3A_135 = tpu.memref_slice %arg5[%dma_wait3A_134] : memref<1024xi32, #tpu.memory_space<vmem>> -> memref<128xi32, #tpu.memory_space<vmem>>
    %dma_wait3A_136 = arith.constant 0 : i32
    %dma_wait3A_137 = arith.constant 0 : i32
    %dma_wait3A_138 = tpu.memref_slice %arg2[%dma_wait3A_136, %dma_wait3A_137] : memref<1024x128xf32, #tpu.memory_space<hbm>> -> memref<1024x128xf32, #tpu.memory_space<hbm>>
    tpu.wait_indirect_dma semaphore(%arg13 : memref<!tpu.dma_semaphore, #tpu.memory_space<semaphore_mem>>) src(%dma_wait3A_138 : memref<1024x128xf32, #tpu.memory_space<hbm>>) dst(%arg9 : memref<128x128xf32, #tpu.memory_space<vmem>>)
    %add3A_139 = arith.constant 896 : i32
    %add3A_140 = arith.addi %mul3A_2, %add3A_139 : i32
    %dma_start3A_141 = arith.constant 0 : i32
    %dma_start3A_142 = tpu.memref_slice %arg4[%add3A_140, %dma_start3A_141] : memref<32768x128xf32, #tpu.memory_space<hbm>> -> memref<128x128xf32, #tpu.memory_space<hbm>>
    %dma_start3A_143 = arith.constant 0 : i32
    %dma_start3A_144 = tpu.memref_slice %arg4[%add3A_140, %dma_start3A_143] : memref<32768x128xf32, #tpu.memory_space<hbm>> -> memref<128x128xf32, #tpu.memory_space<hbm>>
    tpu.enqueue_dma source(%arg9 : memref<128x128xf32, #tpu.memory_space<vmem>>) target(%dma_start3A_144 : memref<128x128xf32, #tpu.memory_space<hbm>>) target_semaphore(%arg17 : memref<!tpu.dma_semaphore, #tpu.memory_space<semaphore_mem>>)
    %dma_wait3A_145 = arith.constant 0 : i32
    %dma_wait3A_146 = tpu.memref_slice %arg4[%add3A_89, %dma_wait3A_145] : memref<32768x128xf32, #tpu.memory_space<hbm>> -> memref<128x128xf32, #tpu.memory_space<hbm>>
    %dma_wait3A_147 = arith.constant 0 : i32
    %dma_wait3A_148 = tpu.memref_slice %arg4[%add3A_89, %dma_wait3A_147] : memref<32768x128xf32, #tpu.memory_space<hbm>> -> memref<128x128xf32, #tpu.memory_space<hbm>>
    tpu.wait_dma2 semaphore(%arg14 : memref<!tpu.dma_semaphore, #tpu.memory_space<semaphore_mem>>) src(%arg6 : memref<128x128xf32, #tpu.memory_space<vmem>>) dst(%dma_wait3A_148 : memref<128x128xf32, #tpu.memory_space<hbm>>)
    %dma_wait3A_149 = arith.constant 0 : i32
    %dma_wait3A_150 = tpu.memref_slice %arg4[%add3A_109, %dma_wait3A_149] : memref<32768x128xf32, #tpu.memory_space<hbm>> -> memref<128x128xf32, #tpu.memory_space<hbm>>
    %dma_wait3A_151 = arith.constant 0 : i32
    %dma_wait3A_152 = tpu.memref_slice %arg4[%add3A_109, %dma_wait3A_151] : memref<32768x128xf32, #tpu.memory_space<hbm>> -> memref<128x128xf32, #tpu.memory_space<hbm>>
    tpu.wait_dma2 semaphore(%arg15 : memref<!tpu.dma_semaphore, #tpu.memory_space<semaphore_mem>>) src(%arg7 : memref<128x128xf32, #tpu.memory_space<vmem>>) dst(%dma_wait3A_152 : memref<128x128xf32, #tpu.memory_space<hbm>>)
    %dma_wait3A_153 = arith.constant 0 : i32
    %dma_wait3A_154 = tpu.memref_slice %arg4[%add3A_129, %dma_wait3A_153] : memref<32768x128xf32, #tpu.memory_space<hbm>> -> memref<128x128xf32, #tpu.memory_space<hbm>>
    %dma_wait3A_155 = arith.constant 0 : i32
    %dma_wait3A_156 = tpu.memref_slice %arg4[%add3A_129, %dma_wait3A_155] : memref<32768x128xf32, #tpu.memory_space<hbm>> -> memref<128x128xf32, #tpu.memory_space<hbm>>
    tpu.wait_dma2 semaphore(%arg16 : memref<!tpu.dma_semaphore, #tpu.memory_space<semaphore_mem>>) src(%arg8 : memref<128x128xf32, #tpu.memory_space<vmem>>) dst(%dma_wait3A_156 : memref<128x128xf32, #tpu.memory_space<hbm>>)
    %dma_wait3A_157 = arith.constant 0 : i32
    %dma_wait3A_158 = tpu.memref_slice %arg4[%add3A_140, %dma_wait3A_157] : memref<32768x128xf32, #tpu.memory_space<hbm>> -> memref<128x128xf32, #tpu.memory_space<hbm>>
    %dma_wait3A_159 = arith.constant 0 : i32
    %dma_wait3A_160 = tpu.memref_slice %arg4[%add3A_140, %dma_wait3A_159] : memref<32768x128xf32, #tpu.memory_space<hbm>> -> memref<128x128xf32, #tpu.memory_space<hbm>>
    tpu.wait_dma2 semaphore(%arg17 : memref<!tpu.dma_semaphore, #tpu.memory_space<semaphore_mem>>) src(%arg9 : memref<128x128xf32, #tpu.memory_space<vmem>>) dst(%dma_wait3A_160 : memref<128x128xf32, #tpu.memory_space<hbm>>)
    return
  }
}

module attributes {stable_mosaic.version = 14 : i64} {
  func.func @_tc_body(%arg0: i32, %arg1: memref<64x4096xf32, #tpu.memory_space<vmem>>, %arg2: memref<1024x64xf32, #tpu.memory_space<vmem>>, %arg3: memref<1x1x4096xi32, #tpu.memory_space<vmem>>, %arg4: memref<1x1xf32, #tpu.memory_space<vmem>>, %arg5: memref<1xf32, #tpu.memory_space<smem>>) attributes {dimension_semantics = [#tpu.dimension_semantics<arbitrary>], iteration_bounds = array<i64: 8>, scalar_prefetch = 0 : i64, scratch_operands = 1 : i64, tpu.core_type = #tpu.core_type<tc>, window_params = [{transform_indices = @transform_0, window_bounds = array<i64: 64, 4096>}, {pipeline_mode = #tpu.pipeline_mode<synchronous>, transform_indices = @transform_1, window_bounds = array<i64: 1024, 64>}, {transform_indices = @transform_2, window_bounds = array<i64: 1, 1, 4096>}, {pipeline_mode = #tpu.pipeline_mode<synchronous>, transform_indices = @transform_3, window_bounds = array<i64: 1, 1>}]} {
    %get3A = arith.constant 0 : index
    %get3A_0 = arith.constant 0 : index
    %get3A_1 = vector.load %arg1[%get3A, %get3A_0] : memref<64x4096xf32, #tpu.memory_space<vmem>>, vector<64x4096xf32>
    %get3A_2 = arith.constant 0 : index
    %get3A_3 = arith.constant 0 : index
    %get3A_4 = vector.load %arg2[%get3A_2, %get3A_3] : memref<1024x64xf32, #tpu.memory_space<vmem>>, vector<1024x64xf32>
    %dot_general3A = arith.constant dense<0.000000e+00> : vector<1024x4096xf32>
    %dot_general3A_5 = tpu.matmul %get3A_4, %get3A_1, %dot_general3A {dimension_numbers = #tpu.dot_dimension_numbers<[1], [0], [0], [1], [0, 0, 1, 1], [], []>, transpose_lhs_hint = false} : vector<1024x64xf32>, vector<64x4096xf32>, vector<1024x4096xf32> -> vector<1024x4096xf32>
    %mul3A = arith.mulf %get3A_1, %get3A_1 : vector<64x4096xf32>
    %reduce_sum3A = arith.constant dense<0.000000e+00> : vector<4096xf32>
    %reduce_sum3A_6 = vector.multi_reduction <add>, %mul3A, %reduce_sum3A [0] : vector<64x4096xf32> to vector<4096xf32>
    %broadcast_in_dim3A = vector.shape_cast %reduce_sum3A_6 : vector<4096xf32> to vector<1x4096xf32>
    %mul3A_7 = arith.mulf %get3A_4, %get3A_4 : vector<1024x64xf32>
    %reduce_sum3A_8 = arith.constant dense<0.000000e+00> : vector<1024xf32>
    %reduce_sum3A_9 = vector.multi_reduction <add>, %mul3A_7, %reduce_sum3A_8 [1] : vector<1024x64xf32> to vector<1024xf32>
    %broadcast_in_dim3A_10 = vector.shape_cast %reduce_sum3A_9 : vector<1024xf32> to vector<1024x1xf32>
    %add3A = vector.broadcast %broadcast_in_dim3A_10 : vector<1024x1xf32> to vector<1024x4096xf32>
    %add3A_11 = vector.broadcast %broadcast_in_dim3A : vector<1x4096xf32> to vector<1024x4096xf32>
    %add3A_12 = arith.addf %add3A, %add3A_11 : vector<1024x4096xf32>
    %mul3A_13 = arith.constant 2.000000e+00 : f32
    %mul3A_14 = vector.broadcast %mul3A_13 : f32 to vector<1024x4096xf32>
    %mul3A_15 = arith.mulf %mul3A_14, %dot_general3A_5 : vector<1024x4096xf32>
    %sub3A = arith.subf %add3A_12, %mul3A_15 : vector<1024x4096xf32>
    %reduce_min3A = arith.constant dense<0x7F800000> : vector<4096xf32>
    %reduce_min3A_16 = vector.multi_reduction <minimumf>, %sub3A, %reduce_min3A [0] : vector<1024x4096xf32> to vector<4096xf32>
    %broadcast_in_dim3A_17 = vector.shape_cast %reduce_min3A_16 : vector<4096xf32> to vector<1x4096xf32>
    %iota3A = tpu.iota {dimensions = array<i32: 0>} : vector<1024x4096xi32>
    %convert_element_type3A = arith.sitofp %iota3A : vector<1024x4096xi32> to vector<1024x4096xf32>
    %eq3A = vector.broadcast %broadcast_in_dim3A_17 : vector<1x4096xf32> to vector<1024x4096xf32>
    %eq3A_18 = arith.cmpf oeq, %sub3A, %eq3A : vector<1024x4096xf32>
    %jit3A = arith.constant 1.024000e+03 : f32
    %broadcast_in_dim3A_19 = vector.broadcast %jit3A : f32 to vector<1024x4096xf32>
    %select_n3A = arith.select %eq3A_18, %convert_element_type3A, %broadcast_in_dim3A_19 : vector<1024x4096xi1>, vector<1024x4096xf32>
    %reduce_min3A_20 = arith.constant dense<0x7F800000> : vector<4096xf32>
    %reduce_min3A_21 = vector.multi_reduction <minimumf>, %select_n3A, %reduce_min3A_20 [0] : vector<1024x4096xf32> to vector<4096xf32>
    %convert_element_type3A_22 = arith.fptosi %reduce_min3A_21 : vector<4096xf32> to vector<4096xi32>
    %reshape3A = vector.shape_cast %convert_element_type3A_22 : vector<4096xi32> to vector<1x1x4096xi32>
    %swap3A = arith.constant 0 : index
    %swap3A_23 = arith.constant 0 : index
    %swap3A_24 = arith.constant 0 : index
    %swap3A_25 = vector.load %arg3[%swap3A, %swap3A_23, %swap3A_24] : memref<1x1x4096xi32, #tpu.memory_space<vmem>>, vector<1x1x4096xi32>
    tpu.vector_store %arg3[%swap3A, %swap3A_23, %swap3A_24], %reshape3A {strides = array<i32>} : memref<1x1x4096xi32, #tpu.memory_space<vmem>>, vector<1x1x4096xi32>,
    %eq3A_26 = arith.constant 0 : i32
    %eq3A_27 = arith.cmpi eq, %arg0, %eq3A_26 : i32
    %convert_element_type3A_28 = arith.extui %eq3A_27 : i1 to i32
    %cond3A = arith.constant 0 : i32
    %cond3A_29 = arith.cmpi ne, %convert_element_type3A_28, %cond3A : i32
    scf.if %cond3A_29 {
      %swap3A_45 = arith.constant 0.000000e+00 : f32
      %swap3A_46 = arith.constant 0 : index
      %swap3A_47 = memref.load %arg5[%swap3A_46] : memref<1xf32, #tpu.memory_space<smem>>
      memref.store %swap3A_45, %arg5[%swap3A_46] : memref<1xf32, #tpu.memory_space<smem>>
    } else {
    }
    %get3A_30 = arith.constant 0 : index
    %get3A_31 = memref.load %arg5[%get3A_30] : memref<1xf32, #tpu.memory_space<smem>>
    %reduce_sum3A_32 = vector.shape_cast %broadcast_in_dim3A_17 : vector<1x4096xf32> to vector<1x1x4096xf32>
    %reduce_sum3A_33 = arith.constant dense<0.000000e+00> : vector<1xf32>
    %reduce_sum3A_34 = vector.multi_reduction <add>, %reduce_sum3A_32, %reduce_sum3A_33 [1, 2] : vector<1x1x4096xf32> to vector<1xf32>
    %reduce_sum3A_35 = vector.shape_cast %reduce_sum3A_34 : vector<1xf32> to vector<1x1x1xf32>
    %reduce_sum3A_36 = vector.extract %reduce_sum3A_35[0, 0, 0] : f32 from vector<1x1x1xf32>
    %add3A_37 = arith.addf %get3A_31, %reduce_sum3A_36 : f32
    %swap3A_38 = arith.constant 0 : index
    %swap3A_39 = memref.load %arg5[%swap3A_38] : memref<1xf32, #tpu.memory_space<smem>>
    memref.store %add3A_37, %arg5[%swap3A_38] : memref<1xf32, #tpu.memory_space<smem>>
    %eq3A_40 = arith.constant 7 : i32
    %eq3A_41 = arith.cmpi eq, %arg0, %eq3A_40 : i32
    %convert_element_type3A_42 = arith.extui %eq3A_41 : i1 to i32
    %cond3A_43 = arith.constant 0 : i32
    %cond3A_44 = arith.cmpi ne, %convert_element_type3A_42, %cond3A_43 : i32
    scf.if %cond3A_44 {
      %get3A_45 = arith.constant 0 : index
      %get3A_46 = memref.load %arg5[%get3A_45] : memref<1xf32, #tpu.memory_space<smem>>
      %broadcast_in_dim3A_47 = vector.broadcast %get3A_46 : f32 to vector<1x1xf32>
      %swap3A_48 = arith.constant 0 : index
      %swap3A_49 = arith.constant 0 : index
      %swap3A_50 = vector.load %arg4[%swap3A_48, %swap3A_49] : memref<1x1xf32, #tpu.memory_space<vmem>>, vector<1x1xf32>
      tpu.vector_store %arg4[%swap3A_48, %swap3A_49], %broadcast_in_dim3A_47 {strides = array<i32>} : memref<1x1xf32, #tpu.memory_space<vmem>>, vector<1x1xf32>,
    } else {
    }
    return
  }
  func.func @transform_0(%arg0: i32) -> (i32, i32) {
    %add3A = arith.constant 0 : i32
    %add3A_0 = arith.addi %arg0, %add3A : i32
    %c0_i32 = arith.constant 0 : i32
    %c0_i32_1 = arith.constant 0 : i32
    return %c0_i32, %add3A_0 : i32, i32
  }
  func.func @transform_1(%arg0: i32) -> (i32, i32) {
    %c0_i32 = arith.constant 0 : i32
    %c0_i32_0 = arith.constant 0 : i32
    %c0_i32_1 = arith.constant 0 : i32
    return %c0_i32, %c0_i32_0 : i32, i32
  }
  func.func @transform_2(%arg0: i32) -> (i32, i32, i32) {
    %c0_i32 = arith.constant 0 : i32
    %c0_i32_0 = arith.constant 0 : i32
    %c0_i32_1 = arith.constant 0 : i32
    return %arg0, %c0_i32, %c0_i32_0 : i32, i32, i32
  }
  func.func @transform_3(%arg0: i32) -> (i32, i32) {
    %c0_i32 = arith.constant 0 : i32
    %c0_i32_0 = arith.constant 0 : i32
    %c0_i32_1 = arith.constant 0 : i32
    return %c0_i32, %c0_i32_0 : i32, i32
  }
}

module attributes {stable_mosaic.version = 14 : i64} {
  func.func @_tc_body(%arg0: i32, %arg1: memref<64x4096xf32, #tpu.memory_space<vmem>>, %arg2: memref<1024x64xf32, #tpu.memory_space<vmem>>, %arg3: memref<1x1x4096xi32, #tpu.memory_space<vmem>>, %arg4: memref<1x1xf32, #tpu.memory_space<vmem>>, %arg5: memref<1xf32, #tpu.memory_space<smem>>) attributes {dimension_semantics = [#tpu.dimension_semantics<arbitrary>], iteration_bounds = array<i64: 8>, scalar_prefetch = 0 : i64, scratch_operands = 1 : i64, tpu.core_type = #tpu.core_type<tc>, window_params = [{transform_indices = @transform_0, window_bounds = array<i64: 64, 4096>}, {pipeline_mode = #tpu.pipeline_mode<synchronous>, transform_indices = @transform_1, window_bounds = array<i64: 1024, 64>}, {transform_indices = @transform_2, window_bounds = array<i64: 1, 1, 4096>}, {pipeline_mode = #tpu.pipeline_mode<synchronous>, transform_indices = @transform_3, window_bounds = array<i64: 1, 1>}]} {
    %get3A = arith.constant 0 : index
    %get3A_0 = arith.constant 0 : index
    %get3A_1 = vector.load %arg1[%get3A, %get3A_0] : memref<64x4096xf32, #tpu.memory_space<vmem>>, vector<64x4096xf32>
    %get3A_2 = arith.constant 0 : index
    %get3A_3 = arith.constant 0 : index
    %get3A_4 = vector.load %arg2[%get3A_2, %get3A_3] : memref<1024x64xf32, #tpu.memory_space<vmem>>, vector<1024x64xf32>
    %dot_general3A = arith.constant dense<0.000000e+00> : vector<1024x4096xf32>
    %dot_general3A_5 = tpu.matmul %get3A_4, %get3A_1, %dot_general3A {dimension_numbers = #tpu.dot_dimension_numbers<[1], [0], [0], [1], [0, 0, 1, 1], [], []>, transpose_lhs_hint = false} : vector<1024x64xf32>, vector<64x4096xf32>, vector<1024x4096xf32> -> vector<1024x4096xf32>
    %mul3A = arith.mulf %get3A_1, %get3A_1 : vector<64x4096xf32>
    %reduce_sum3A = arith.constant dense<0.000000e+00> : vector<4096xf32>
    %reduce_sum3A_6 = vector.multi_reduction <add>, %mul3A, %reduce_sum3A [0] : vector<64x4096xf32> to vector<4096xf32>
    %broadcast_in_dim3A = vector.shape_cast %reduce_sum3A_6 : vector<4096xf32> to vector<1x4096xf32>
    %mul3A_7 = arith.mulf %get3A_4, %get3A_4 : vector<1024x64xf32>
    %reduce_sum3A_8 = arith.constant dense<0.000000e+00> : vector<1024xf32>
    %reduce_sum3A_9 = vector.multi_reduction <add>, %mul3A_7, %reduce_sum3A_8 [1] : vector<1024x64xf32> to vector<1024xf32>
    %broadcast_in_dim3A_10 = vector.shape_cast %reduce_sum3A_9 : vector<1024xf32> to vector<1024x1xf32>
    %add3A = vector.broadcast %broadcast_in_dim3A_10 : vector<1024x1xf32> to vector<1024x4096xf32>
    %add3A_11 = vector.broadcast %broadcast_in_dim3A : vector<1x4096xf32> to vector<1024x4096xf32>
    %add3A_12 = arith.addf %add3A, %add3A_11 : vector<1024x4096xf32>
    %mul3A_13 = arith.constant 2.000000e+00 : f32
    %mul3A_14 = vector.broadcast %mul3A_13 : f32 to vector<1024x4096xf32>
    %mul3A_15 = arith.mulf %mul3A_14, %dot_general3A_5 : vector<1024x4096xf32>
    %sub3A = arith.subf %add3A_12, %mul3A_15 : vector<1024x4096xf32>
    %reduce_min3A = arith.constant dense<0x7F800000> : vector<4096xf32>
    %reduce_min3A_16 = vector.multi_reduction <minimumf>, %sub3A, %reduce_min3A [0] : vector<1024x4096xf32> to vector<4096xf32>
    %broadcast_in_dim3A_17 = vector.shape_cast %reduce_min3A_16 : vector<4096xf32> to vector<1x4096xf32>
    %iota3A = tpu.iota {dimensions = array<i32: 0>} : vector<1024x4096xi32>
    %convert_element_type3A = arith.sitofp %iota3A : vector<1024x4096xi32> to vector<1024x4096xf32>
    %eq3A = vector.broadcast %broadcast_in_dim3A_17 : vector<1x4096xf32> to vector<1024x4096xf32>
    %eq3A_18 = arith.cmpf oeq, %sub3A, %eq3A : vector<1024x4096xf32>
    %jit3A = arith.constant 1.024000e+03 : f32
    %broadcast_in_dim3A_19 = vector.broadcast %jit3A : f32 to vector<1024x4096xf32>
    %select_n3A = arith.select %eq3A_18, %convert_element_type3A, %broadcast_in_dim3A_19 : vector<1024x4096xi1>, vector<1024x4096xf32>
    %reduce_min3A_20 = arith.constant dense<0x7F800000> : vector<4096xf32>
    %reduce_min3A_21 = vector.multi_reduction <minimumf>, %select_n3A, %reduce_min3A_20 [0] : vector<1024x4096xf32> to vector<4096xf32>
    %convert_element_type3A_22 = arith.fptosi %reduce_min3A_21 : vector<4096xf32> to vector<4096xi32>
    %reshape3A = vector.shape_cast %convert_element_type3A_22 : vector<4096xi32> to vector<1x1x4096xi32>
    %swap3A = arith.constant 0 : index
    %swap3A_23 = arith.constant 0 : index
    %swap3A_24 = arith.constant 0 : index
    %swap3A_25 = vector.load %arg3[%swap3A, %swap3A_23, %swap3A_24] : memref<1x1x4096xi32, #tpu.memory_space<vmem>>, vector<1x1x4096xi32>
    tpu.vector_store %arg3[%swap3A, %swap3A_23, %swap3A_24], %reshape3A {strides = array<i32>} : memref<1x1x4096xi32, #tpu.memory_space<vmem>>, vector<1x1x4096xi32>,
    %eq3A_26 = arith.constant 0 : i32
    %eq3A_27 = arith.cmpi eq, %arg0, %eq3A_26 : i32
    %convert_element_type3A_28 = arith.extui %eq3A_27 : i1 to i32
    %cond3A = arith.constant 0 : i32
    %cond3A_29 = arith.cmpi ne, %convert_element_type3A_28, %cond3A : i32
    scf.if %cond3A_29 {
      %swap3A_45 = arith.constant 0.000000e+00 : f32
      %swap3A_46 = arith.constant 0 : index
      %swap3A_47 = memref.load %arg5[%swap3A_46] : memref<1xf32, #tpu.memory_space<smem>>
      memref.store %swap3A_45, %arg5[%swap3A_46] : memref<1xf32, #tpu.memory_space<smem>>
    } else {
    }
    %get3A_30 = arith.constant 0 : index
    %get3A_31 = memref.load %arg5[%get3A_30] : memref<1xf32, #tpu.memory_space<smem>>
    %reduce_sum3A_32 = vector.shape_cast %broadcast_in_dim3A_17 : vector<1x4096xf32> to vector<1x1x4096xf32>
    %reduce_sum3A_33 = arith.constant dense<0.000000e+00> : vector<1xf32>
    %reduce_sum3A_34 = vector.multi_reduction <add>, %reduce_sum3A_32, %reduce_sum3A_33 [1, 2] : vector<1x1x4096xf32> to vector<1xf32>
    %reduce_sum3A_35 = vector.shape_cast %reduce_sum3A_34 : vector<1xf32> to vector<1x1x1xf32>
    %reduce_sum3A_36 = vector.extract %reduce_sum3A_35[0, 0, 0] : f32 from vector<1x1x1xf32>
    %add3A_37 = arith.addf %get3A_31, %reduce_sum3A_36 : f32
    %swap3A_38 = arith.constant 0 : index
    %swap3A_39 = memref.load %arg5[%swap3A_38] : memref<1xf32, #tpu.memory_space<smem>>
    memref.store %add3A_37, %arg5[%swap3A_38] : memref<1xf32, #tpu.memory_space<smem>>
    %eq3A_40 = arith.constant 7 : i32
    %eq3A_41 = arith.cmpi eq, %arg0, %eq3A_40 : i32
    %convert_element_type3A_42 = arith.extui %eq3A_41 : i1 to i32
    %cond3A_43 = arith.constant 0 : i32
    %cond3A_44 = arith.cmpi ne, %convert_element_type3A_42, %cond3A_43 : i32
    scf.if %cond3A_44 {
      %get3A_45 = arith.constant 0 : index
      %get3A_46 = memref.load %arg5[%get3A_45] : memref<1xf32, #tpu.memory_space<smem>>
      %broadcast_in_dim3A_47 = vector.broadcast %get3A_46 : f32 to vector<1x1xf32>
      %swap3A_48 = arith.constant 0 : index
      %swap3A_49 = arith.constant 0 : index
      %swap3A_50 = vector.load %arg4[%swap3A_48, %swap3A_49] : memref<1x1xf32, #tpu.memory_space<vmem>>, vector<1x1xf32>
      tpu.vector_store %arg4[%swap3A_48, %swap3A_49], %broadcast_in_dim3A_47 {strides = array<i32>} : memref<1x1xf32, #tpu.memory_space<vmem>>, vector<1x1xf32>,
    } else {
    }
    return
  }
  func.func @transform_0(%arg0: i32) -> (i32, i32) {
    %add3A = arith.constant 8 : i32
    %add3A_0 = arith.addi %arg0, %add3A : i32
    %c0_i32 = arith.constant 0 : i32
    %c0_i32_1 = arith.constant 0 : i32
    return %c0_i32, %add3A_0 : i32, i32
  }
  func.func @transform_1(%arg0: i32) -> (i32, i32) {
    %c0_i32 = arith.constant 0 : i32
    %c0_i32_0 = arith.constant 0 : i32
    %c0_i32_1 = arith.constant 0 : i32
    return %c0_i32, %c0_i32_0 : i32, i32
  }
  func.func @transform_2(%arg0: i32) -> (i32, i32, i32) {
    %c0_i32 = arith.constant 0 : i32
    %c0_i32_0 = arith.constant 0 : i32
    %c0_i32_1 = arith.constant 0 : i32
    return %arg0, %c0_i32, %c0_i32_0 : i32, i32, i32
  }
  func.func @transform_3(%arg0: i32) -> (i32, i32) {
    %c0_i32 = arith.constant 0 : i32
    %c0_i32_0 = arith.constant 0 : i32
    %c0_i32_1 = arith.constant 0 : i32
    return %c0_i32, %c0_i32_0 : i32, i32
  }
}

module attributes {stable_mosaic.version = 14 : i64} {
  func.func @_lambda_(%arg0: i32, %arg1: memref<8192x128xf32, #tpu.memory_space<vmem>>, %arg2: memref<64x8192xf32, #tpu.memory_space<vmem>>) attributes {dimension_semantics = [#tpu.dimension_semantics<arbitrary>], iteration_bounds = array<i64: 4>, scalar_prefetch = 0 : i64, scratch_operands = 0 : i64, tpu.core_type = #tpu.core_type<tc>, window_params = [{transform_indices = @transform_0, window_bounds = array<i64: 8192, 128>}, {transform_indices = @transform_1, window_bounds = array<i64: 64, 8192>}]} {
    %get3A = arith.constant 0 : index
    %get3A_0 = arith.constant 0 : index
    %get3A_1 = vector.load %arg1[%get3A, %get3A_0] : memref<8192x128xf32, #tpu.memory_space<vmem>>, vector<8192x64xf32>
    %transpose3A = tpu.transpose %get3A_1, [1, 0] : vector<8192x64xf32> -> vector<64x8192xf32>
    %swap3A = arith.constant 0 : index
    %swap3A_2 = arith.constant 0 : index
    %swap3A_3 = vector.load %arg2[%swap3A, %swap3A_2] : memref<64x8192xf32, #tpu.memory_space<vmem>>, vector<64x8192xf32>
    tpu.vector_store %arg2[%swap3A, %swap3A_2], %transpose3A {strides = array<i32>} : memref<64x8192xf32, #tpu.memory_space<vmem>>, vector<64x8192xf32>,
    return
  }
  func.func @transform_0(%arg0: i32) -> (i32, i32) {
    %c0_i32 = arith.constant 0 : i32
    %c0_i32_0 = arith.constant 0 : i32
    return %arg0, %c0_i32 : i32, i32
  }
  func.func @transform_1(%arg0: i32) -> (i32, i32) {
    %c0_i32 = arith.constant 0 : i32
    %c0_i32_0 = arith.constant 0 : i32
    return %c0_i32, %arg0 : i32, i32
  }
}

module attributes {stable_mosaic.version = 14 : i64} {
  func.func @_packT_body(%arg0: i32, %arg1: memref<64x65536xf32, #tpu.memory_space<any>>, %arg2: memref<8192x128xf32, #tpu.memory_space<vmem>>, %arg3: memref<64x8192xf32, #tpu.memory_space<vmem>>) attributes {dimension_semantics = [#tpu.dimension_semantics<arbitrary>], iteration_bounds = array<i64: 4>, scalar_prefetch = 0 : i64, scratch_operands = 0 : i64, tpu.core_type = #tpu.core_type<tc>, window_params = [{}, {transform_indices = @transform_1, window_bounds = array<i64: 8192, 128>}, {transform_indices = @transform_2, window_bounds = array<i64: 64, 8192>}]} {
    %get3A = arith.constant 0 : index
    %get3A_0 = arith.constant 0 : index
    %get3A_1 = vector.load %arg2[%get3A, %get3A_0] : memref<8192x128xf32, #tpu.memory_space<vmem>>, vector<8192x64xf32>
    %transpose3A = tpu.transpose %get3A_1, [1, 0] : vector<8192x64xf32> -> vector<64x8192xf32>
    %swap3A = arith.constant 0 : index
    %swap3A_2 = arith.constant 0 : index
    %swap3A_3 = vector.load %arg3[%swap3A, %swap3A_2] : memref<64x8192xf32, #tpu.memory_space<vmem>>, vector<64x8192xf32>
    tpu.vector_store %arg3[%swap3A, %swap3A_2], %transpose3A {strides = array<i32>} : memref<64x8192xf32, #tpu.memory_space<vmem>>, vector<64x8192xf32>,
    return
  }
  func.func @transform_1(%arg0: i32) -> (i32, i32) {
    %c0_i32 = arith.constant 0 : i32
    %c0_i32_0 = arith.constant 0 : i32
    return %arg0, %c0_i32 : i32, i32
  }
  func.func @transform_2(%arg0: i32) -> (i32, i32) {
    %add3A = arith.constant 4 : i32
    %add3A_0 = arith.addi %arg0, %add3A : i32
    %c0_i32 = arith.constant 0 : i32
    %c0_i32_1 = arith.constant 0 : i32
    return %c0_i32, %add3A_0 : i32, i32
  }
}

</mosaic_0001>

<sc_bundles>
// kernel: kernel.11.cloned.1.call-start
scs
__scs_entry_jumppad:
0x0: {  	(pc) =	sbr.rel $0x88, $3  }
0x1: {  	(tag) =	ssettag $0x0;
	lr =	simm.s32 $0x1  }
0x2: {  	[smem:$0x3F9F] =	sst lr;
	_ =	strace $0xD0000000  }
0x3: {  	_ = 	snop  }
0x4: {  	_ = 	snop  }
0x5: {  	_ = 	snop  }
0x6: {  	_ = 	snop  }
0x7: {  	_ = 	snop  }
__scs_overlays_trampoline_lowered:
0x8: {  	[smem:$0x3FAE] =	sst s0  }
0x9: {  	[smem:$0x3FAF] =	sst s1  }
0xa: {  	[smem:$0x3FB0] =	sst s2  }
0xb: {  	[smem:$0x3FB1] =	sst s3  }
0xc: {  	[smem:$0x3FB2] =	sst s4  }
0xd: {  	[smem:$0x3FB3] =	sst s5  }
0xe: {  	[smem:$0x3FB4] =	sst s6  }
0xf: {  	[smem:$0x3FB5] =	sst s7  }
0x10: {  	[smem:$0x3FB6] =	sst s8  }
0x11: {  	[smem:$0x3FB7] =	sst s9;
	s0 =	simm.s32 @!p0 $0x0  }
0x12: {  	s1 =	sld [smem:$0x3F9D];
	s0 =	simm.s32 @p0 $0x1  }
0x13: {  	[smem:$0x3FB8] =	sst s0;
	s0 =	simm.s32 @!p1 $0x0  }
0x14: {  	s2 =	sld [smem:$0x3F9C];
	s0 =	simm.s32 @p1 $0x1  }
0x15: {  	[smem:$0x3FB9] =	sst s0;
	s0 =	simm.s32 @!p2 $0x0  }
0x16: {  	s3 =	sld [smem:$0x3FDB];
	s0 =	simm.s32 @p2 $0x1  }
0x17: {  	s4 =	simm.s32 $0x1BF5;
	[smem:$0x3FBB] =	sst s0  }
0x18: {  	s0 =	sld [smem:$0x3F9E];
	_ =	swait.ge [sflag:s4], $0x0  }
0x19: {  	s7 =	sld [smem:$0x3F9F]  }
0x1a: {  	s8 =	sadd.s32 $0xFFFFE003, lr  }
0x1b: {  	s9 =	sadd.s32 $0xFFFFFEF7, lr;
	s5 =	simm.s32 $0xFFFFFFFF;
	p2 =	slt.u32 s8, $0xFFFFF086  }
0x1c: {  	p1 =	slt.u32 s9, $0xF7A;
	s5 =	simm.s32 @!p2 $0x0  }
0x1d: {  	s5 =	simm.s32 @p1 $0x1;
	p0 =	seq.s32 s7, s2  }
0x1e: {  	s7 =	smul.u32 @!p0 $0xF7A, s2;
	p2 =	seq.s32 @!p0 s5, $0x0  }
0x1f: {  	s9 =	smul.u32 $0xF7A, s1;
	s8 =	simm.s32 @!p0 $0x1BF5;
	p2 =	por !p2, p0  }
0x20: {  	[sflag:s8] =	ssyncset.s32 @!p0 $0xFFFFF086;
	s6 =	sadd.s32 @!p0 s3, s7;
	s7 =	simm.s32 @!p0 $0x108  }
0x21: {  	s3 =	sadd.s32 s3, s9;
	s6 =	sadd.s32 @!p0 $0x88, s6;
	s7 =	simm.s32 @p2 $0x1082  }
0x22: {  	[simem:s7], [sflag:s8] =	dma.local @!p0 [hbm:s6], $0xF7A  }
0x23: {  	s9 =	sor.u32 $0xD0000000, s2;
	s6 =	simm.s32 $0x108;
	_ =	swait.ge @!p0 [sflag:s8], $0x0  }
0x24: {  	s3 =	sadd.s32 $0x88, s3;
	s6 =	simm.s32 @!p1 $0x1082;
	[sflag:s4] =	ssyncset.s32 $0xFFFFF086  }
0x25: {  	[simem:s6], [sflag:s4] =	dma.local [hbm:s3], $0xF7A  }
0x26: {  	[smem:$0x3F9F] =	sst s1;
	(tag) =	ssettag s2;
	_ =	strace s9  }
0x27: {  	s1 =	sld [smem:$0x3FAF]  }
0x28: {  	s2 =	sld [smem:$0x3FB0]  }
0x29: {  	s4 =	sld [smem:$0x3FB2]  }
0x2a: {  	p0 =	seq.s32 s5, $0x0;
	s5 =	sld [smem:$0x3FB3]  }
0x2b: {  	s6 =	sld [smem:$0x3FB4]  }
0x2c: {  	s7 =	sld [smem:$0x3FB5]  }
0x2d: {  	s3 =	simm.s32 $0x108;
	s8 =	sld [smem:$0x3FB6]  }
0x2e: {  	s3 =	simm.s32 @!p0 $0x1082;
	s9 =	sld [smem:$0x3FB7]  }
0x2f: {  	lr =	sadd.s32 s0, s3;
	s0 =	sld [smem:$0x3FAE]  }
0x30: {  	s3 =	sld [smem:$0x3FB1]  }
0x31: {  	[smem:$0x3FBA] =	sst s10  }
0x32: {  	s10 =	sld [smem:$0x3FB8];
	_ =	sdelay $0x3  }
0x33: {  	p0 =	seq.s32 s10, $0x1;
	s10 =	sld [smem:$0x3FBA];
	_ =	sdelay $0x3  }
0x34: {  	[smem:$0x3FBA] =	sst s10  }
0x35: {  	s10 =	sld [smem:$0x3FB9];
	_ =	sdelay $0x3  }
0x36: {  	p1 =	seq.s32 s10, $0x1;
	s10 =	sld [smem:$0x3FBA];
	_ =	sdelay $0x3  }
0x37: {  	[smem:$0x3FBA] =	sst s10  }
0x38: {  	s10 =	sld [smem:$0x3FBB]  }
0x39: {  	_ = 	snop;
	(pc) =	sbr.ind lr, $3  }
0x3a: {  	_ = 	snop  }
0x3b: {  	_ = 	snop  }
0x3c: {  	p2 =	seq.s32 s10, $0x1;
	s10 =	sld [smem:$0x3FBA]  }
0x3d: {  	_ =	shalt  }
0x3e: {  	_ =	shalt  }
0x3f: {  	_ =	shalt  }
0x40: {  	_ =	shalt  }
0x41: {  	_ =	shalt  }
0x42: {  	_ =	shalt  }
0x43: {  	_ =	shalt  }
0x44: {  	_ =	shalt  }
0x45: {  	_ =	shalt  }
0x46: {  	_ =	shalt  }
0x47: {  	_ =	shalt  }
0x48: {  	_ =	shalt  }
0x49: {  	_ =	shalt  }
0x4a: {  	_ =	shalt  }
0x4b: {  	_ =	shalt  }
0x4c: {  	_ =	shalt  }
0x4d: {  	_ =	shalt  }
0x4e: {  	_ =	shalt  }
0x4f: {  	_ =	shalt  }
0x50: {  	_ =	shalt  }
0x51: {  	_ =	shalt  }
0x52: {  	_ =	shalt  }
0x53: {  	_ =	shalt  }
0x54: {  	_ =	shalt  }
0x55: {  	_ =	shalt  }
0x56: {  	_ =	shalt  }
0x57: {  	_ =	shalt  }
0x58: {  	_ =	shalt  }
0x59: {  	_ =	shalt  }
0x5a: {  	_ =	shalt  }
0x5b: {  	_ =	shalt  }
0x5c: {  	_ =	shalt  }
0x5d: {  	_ =	shalt  }
0x5e: {  	_ =	shalt  }
0x5f: {  	_ =	shalt  }
0x60: {  	_ =	shalt  }
0x61: {  	_ =	shalt  }
0x62: {  	_ =	shalt  }
0x63: {  	_ =	shalt  }
0x64: {  	_ =	shalt  }
0x65: {  	_ =	shalt  }
0x66: {  	_ =	shalt  }
0x67: {  	_ =	shalt  }
0x68: {  	_ =	shalt  }
0x69: {  	_ =	shalt  }
0x6a: {  	_ =	shalt  }
0x6b: {  	_ =	shalt  }
0x6c: {  	_ =	shalt  }
0x6d: {  	_ =	shalt  }
0x6e: {  	_ =	shalt  }
0x6f: {  	_ =	shalt  }
0x70: {  	_ =	shalt  }
0x71: {  	_ =	shalt  }
0x72: {  	_ =	shalt  }
0x73: {  	_ =	shalt  }
0x74: {  	_ =	shalt  }
0x75: {  	_ =	shalt  }
0x76: {  	_ =	shalt  }
0x77: {  	_ =	shalt  }
0x78: {  	_ =	shalt  }
0x79: {  	_ =	shalt  }
0x7a: {  	_ =	shalt  }
0x7b: {  	_ =	shalt  }
0x7c: {  	_ =	shalt  }
0x7d: {  	_ =	shalt  }
0x7e: {  	_ =	shalt  }
0x7f: {  	_ =	shalt  }
0x80: {  	_ =	shalt  }
0x81: {  	_ =	shalt  }
0x82: {  	_ =	shalt  }
0x83: {  	_ =	shalt  }
0x84: {  	_ =	shalt  }
0x85: {  	_ =	shalt  }
0x86: {  	_ =	shalt  }
0x87: {  	_ =	shalt  }
.Lfunc_end0:
.L_simem_size_0:
called_computation.1_lowered:
.L_overlay_start_0:
0x88: {  	s2 =	sld [smem:$0x3FD9]  }
0x89: {  	s3 =	sld [smem:$0x3FFE];
	_ =	sdelay $0x1  }
0x8a: {  	s1 =	srdreg.scid  }
0x8b: {  	s0 =	sand.u32 $0x1, s1  }
0x8c: {  	s17 =	sshll.u32 s0, $0xA;
	s2 =	sadd.s32 s3, s2  }
0x8d: {  	s2 =	sadd.s32 s2, s17  }
0x8e: {  	[smem:$0x3FC6] =	sst s2  }
0x8f: {  	_ = 	snop  }
0x90: {  	(tm) =	ssettm $0x1  }
0x91: {  	s18 =	sld [smem:$0x3FFB];
	_ =	sdelay $0x3  }
0x92: {  	_ =	strace s18  }
0x93: {  	s2 =	sld [smem:$0x3FFC];
	_ =	sdelay $0x3  }
0x94: {  	_ =	strace s2  }
0x95: {  	s2 =	sld [smem:$0x3FFD];
	_ =	sdelay $0x3  }
0x96: {  	_ =	strace s2  }
0x97: {  	_ =	strace $0x8FFFFFFF  }
0x98: {  	s19 =	sld [smem:$0x3FDB];
	_ =	sdelay $0x1  }
0x99: {  	s20 =	simm.s32 $_scs_section_size  }
0x9a: {  	s4 =	simm.s32 $_size__tile_overlayer_lowered;
	s5 =	simm.s32 $_tile_overlayer_lowered  }
0x9b: {  	s6 =	simm.s32 $0x1BFF;
	s21 =	sshll.u32 s5, $0x1;
	s3 =	sadd.s32 s20, s19  }
0x9c: {  	s22 =	simm.s32 $0x0;
	s4 =	sshll.u32 s4, $0x1;
	s5 =	sadd.s32 s21, s3  }
0x9d: {  	[timem:s22], [sflag:s6] =	dma.local [hbm:s5], s4  }
0x9e: {  	_ =	swait.ge [sflag:s6], s4  }
0x9f: {  	s4 =	ssub.s32 $0x0, s4;
	[sflag:s6] =	ssyncset.done $0x0  }
0xa0: {  	[sflag:s6] =	ssyncadd.s32 s4;
	_ =	sdelay $0x1  }
0xa1: {  	s23 =	simm.s32 $0x1B8B  }
0xa2: {  	_ =	swait.ge [sflag:s23], $0x1  }
0xa3: {  	[sflag:s23] =	ssyncset.done $0x0  }
0xa4: {  	[sflag:s23] =	ssyncadd.s32 $0xFFFFFFFF  }
0xa5: {  	s4 =	sld [smem:$0x0]  }
0xa6: {  	s5 =	sand.u32 $0xFFFFFFFE, s1  }
0xa7: {  	p0 =	sne.s32 s1, s5  }
0xa8: {  	s5 =	sshll.u32 @p0 s5, $0xE  }
0xa9: {  	s5 =	sadd.s32 @p0 $0x11B8D, s5;
	s6 =	sshll.u32 @p0 s4, $0x11  }
0xaa: {  	s5 =	sor.u32 @p0 s6, s5  }
0xab: {  	[sflag:s5] =	ssyncadd.remote.s32 @p0 $0x1;
	_ =	sdelay $0x1  }
0xac: {  	s5 =	simm.s32 @p0 $0x1B8D  }
0xad: {  	_ =	swait.eq @p0 [sflag:s5], $0x1  }
0xae: {  	[sflag:s5] =	ssyncadd.s32 @p0 $0xFFFFFFFF  }
0xaf: {  	s6 =	sshll.u32 @!p0 s1, $0xE  }
0xb0: {  	s6 =	sor.u32 @!p0 $0x4000, s6;
	s5 =	simm.s32 @!p0 $0x1B8D  }
0xb1: {  	s4 =	sshll.u32 @!p0 s4, $0x11;
	s6 =	sadd.s32 @!p0 $0x11B8D, s6;
	_ =	swait.eq @!p0 [sflag:s5], $0x1  }
0xb2: {  	s4 =	sor.u32 @!p0 s4, s6;
	[sflag:s5] =	ssyncadd.s32 @!p0 $0xFFFFFFFF  }
0xb3: {  	s25 =	simm.s32 $0x1B8E;
	s24 =	sld [smem:$0x3FFE];
	[sflag:s4] =	ssyncadd.remote.s32 @!p0 $0x1  }
0xb4: {  	s26 =	simm.s32 $execute0_lowered;
	[smem:$0x3FD2] =	sst s25  }
0xb5: {  	s5 =	sshll.u32 s26, $0x1;
	_ =	strace $0x80000049;
	[dreg:$0x1] =	wrdreg $0xFFFFFFFF  }
0xb6: {  	s28 =	simm.s32 $_size_execute0_lowered;
	s3 =	sadd.s32 s3, s5;
	[dreg:$0x0] =	wrdreg $0x0  }
0xb7: {  	s5 =	sshll.u32 s28, $0x1;
	[dreg:$0x2] =	wrdreg s3  }
0xb8: {  	[dreg:$0x3] =	wrdreg s5  }
0xb9: {  	[dreg:$0x4] =	wrdreg $0xC0  }
0xba: {  	_ =	task [dreg:s22], $0x5FFFF  }
0xbb: {  	[dreg:$0x1] =	wrdreg $0xFFFFFFFF  }
0xbc: {  	[dreg:$0x0] =	wrdreg $0x60  }
0xbd: {  	[dreg:$0x2] =	wrdreg s24  }
0xbe: {  	[dreg:$0x3] =	wrdreg $0xA  }
0xbf: {  	_ =	task.clear_ibuf [dreg:s22], $0x4FFFF;
	_ =	strace $0x90000049  }
0xc0: {  	s29 =	simm.s32 $0xA;
	_ =	strace $0x8000004B  }
0xc1: {  	_ =	swait.ge [sflag:s29], $0x1  }
0xc2: {  	[sflag:s29] =	ssyncadd.s32 $0xFFFFFFFF  }
0xc3: {  	_ =	strace $0x9000004B  }
0xc4: {  	_ =	sfence  }
0xc5: {  	s30 =	sld [smem:$0x0];
	_ =	sdelay $0x2  }
0xc6: {  	s31 =	sshll.u32 s1, $0xD;
	s1 =	sshrl.u32 s1, $0x2  }
0xc7: {  	s4 =	sand.u32 $0x4000, s31;
	s1 =	sadd.s32 s1, s30  }
0xc8: {  	s0 =	sor.u32 s4, s0;
	s1 =	sshll.u32 s1, $0x11  }
0xc9: {  	s0 =	sor.u32 s1, s0  }
0xca: {  	s0 =	sadd.s32 $0x8F2B, s0  }
0xcb: {  	[sflag:s0] =	ssyncadd.remote.s32 $0x1  }
0xcc: {  	_ =	sfence.sel $0xFFFF  }
0xcd: {  	[dreg:$0x0] =	wrdreg $0xFFFFFFFF;
	(pc) =	sbr.abs _section_cstart, $3  }
0xce: {  	[dreg:$0x1] =	wrdreg $0xFFFFFFFF  }
0xcf: {  	_ =	task.clear_ibuf [dreg:s22], $0x2FFFF;
	_ =	strace $0x9FFFFFFF  }
0xd0: {  	(tm) =	ssettm $0x7FFFFFFF  }
0xd1: {  	_ =	shalt  }
tec
execute0_lowered:
.L_overlay_start_1:
0x0: {  	(tag) =	ssettag $0x1  }
0x1: {  	s1 =	srdreg.scid  }
0x2: {  	s0 =	stileid.u32;
	s1 =	sand.u32 $0x1, s1  }
0x3: {  	s2 =	sshll.u32 s0, $0xB;
	s3 =	sshll.u32 s1, $0xA  }
0x4: {  	s3 =	sor.u32 s3, s2  }
0x5: {  	s4 =	rddreg [dreg:$0x0];
	s5 =	sshrl.u32 s3, $0x3  }
0x6: {  	s2 =	simm.s32 $0x0;
	s3 =	sshll.u32 s3, $0x4;
	s5 =	sadd.s32 s5, s4  }
0x7: {  	[smem:$0x7FF] =	sst s2;
	s31 =	sadd.s32 s3, s4;
	s5 =	sadd.s32 $0x6A00, s5  }
0x8: {  	_ =	strace $0x8000004A;
	s3 =	sadd.s32 $0x7A00, s31;
	[dreg:$0x2] =	wrdreg s5  }
0x9: {  	[dreg:$0x3] =	wrdreg s3  }
0xa: {  	s3 =	simm.s32 $0x9;
	s5 =	rddreg [dreg:$0x2]  }
0xb: {  	[tilespmem:s2], [sflag:$0x9] =	stream.linear.gather [hbm4b:s5+s2], $0x400, $0x38;
	[tilespmem:$0x10400] =	vst v63  }
0xc: {  	_ =	swait.ge [sflag:s3], $0x400  }
0xd: {  	s6 =	simm.s32 $0x400;
	[sflag:s3] =	ssyncset.done $0x0  }
0xe: {  	s4 =	sadd.s32 $0x2A00, s4;
	s5 =	simm.s32 $0x80;
	[sflag:s3] =	ssyncadd.s32 $0xFFFFFC00  }
0xf: {  	[tilespmem:s6], [sflag:$0x1] =	stream.indirect.gather [hbm4b:s4+s5], $0x80, s2, s5, $0xb8;
	[tilespmem:$0x10400] =	vst v63  }
0x10: {  	s7 =	simm.s32 $0x4400;
	s8 =	simm.s32 $0x1  }
0x11: {  	[tilespmem:s7], [sflag:$0x2] =	stream.indirect.gather [hbm4b:s4+s5], $0x80, s5, s5, $0xb8;
	[tilespmem:$0x10400] =	vst v63  }
0x12: {  	_ =	swait.ge [sflag:s8], $0x4000  }
0x13: {  	[sflag:s8] =	ssyncset.done $0x0  }
0x14: {  	s9 =	rddreg [dreg:$0x3];
	[sflag:s8] =	ssyncadd.s32 $0xFFFFC000  }
0x15: {  	[hbm4b:s9+s2] =	stream.linear.scatter [tilespmem:s6], [sflag:$0x5], $0x4000, $0x38;
	[tilespmem:$0x10400] =	vst v63  }
0x16: {  	s10 =	simm.s32 $0x8400;
	s11 =	simm.s32 $0x2;
	s9 =	simm.s32 $0x100  }
0x17: {  	[tilespmem:s10], [sflag:$0x3] =	stream.indirect.gather [hbm4b:s4+s5], $0x80, s9, s5, $0xb8;
	[tilespmem:$0x10400] =	vst v63  }
0x18: {  	_ =	swait.ge [sflag:s11], $0x4000  }
0x19: {  	[sflag:s11] =	ssyncset.done $0x0  }
0x1a: {  	s12 =	sadd.s32 $0x8200, s31;
	[sflag:s11] =	ssyncadd.s32 $0xFFFFC000  }
0x1b: {  	[hbm4b:s12+s2] =	stream.linear.scatter [tilespmem:s7], [sflag:$0x6], $0x4000, $0x38;
	[tilespmem:$0x10400] =	vst v63  }
0x1c: {  	s13 =	simm.s32 $0x180;
	s14 =	simm.s32 $0xC400;
	s15 =	simm.s32 $0x3  }
0x1d: {  	[tilespmem:s14], [sflag:$0x4] =	stream.indirect.gather [hbm4b:s4+s5], $0x80, s13, s5, $0xb8;
	[tilespmem:$0x10400] =	vst v63  }
0x1e: {  	_ =	swait.ge [sflag:s15], $0x4000  }
0x1f: {  	[sflag:s15] =	ssyncset.done $0x0  }
0x20: {  	s17 =	simm.s32 $0x5;
	s16 =	sadd.s32 $0x8A00, s31;
	[sflag:s15] =	ssyncadd.s32 $0xFFFFC000  }
0x21: {  	[hbm4b:s16+s2] =	stream.linear.scatter [tilespmem:s10], [sflag:$0x7], $0x4000, $0x38;
	[tilespmem:$0x10400] =	vst v63  }
0x22: {  	_ =	swait.ge [sflag:s17], $0x4000  }
0x23: {  	[sflag:s17] =	ssyncset.done $0x0  }
0x24: {  	s18 =	simm.s32 $0x200;
	s19 =	simm.s32 $0x4;
	[sflag:s17] =	ssyncadd.s32 $0xFFFFC000  }
0x25: {  	[tilespmem:s6], [sflag:$0x1] =	stream.indirect.gather [hbm4b:s4+s5], $0x80, s18, s5, $0xb8;
	[tilespmem:$0x10400] =	vst v63  }
0x26: {  	_ =	swait.ge [sflag:s19], $0x4000  }
0x27: {  	[sflag:s19] =	ssyncset.done $0x0  }
0x28: {  	s21 =	simm.s32 $0x6;
	s20 =	sadd.s32 $0x9200, s31;
	[sflag:s19] =	ssyncadd.s32 $0xFFFFC000  }
0x29: {  	[hbm4b:s20+s2] =	stream.linear.scatter [tilespmem:s14], [sflag:$0x8], $0x4000, $0x38;
	[tilespmem:$0x10400] =	vst v63  }
0x2a: {  	_ =	swait.ge [sflag:s21], $0x4000  }
0x2b: {  	[sflag:s21] =	ssyncset.done $0x0  }
0x2c: {  	s22 =	simm.s32 $0x280;
	[sflag:s21] =	ssyncadd.s32 $0xFFFFC000  }
0x2d: {  	[tilespmem:s7], [sflag:$0x2] =	stream.indirect.gather [hbm4b:s4+s5], $0x80, s22, s5, $0xb8;
	[tilespmem:$0x10400] =	vst v63  }
0x2e: {  	_ =	swait.ge [sflag:s8], $0x4000  }
0x2f: {  	[sflag:s8] =	ssyncset.done $0x0  }
0x30: {  	s24 =	simm.s32 $0x7;
	s23 =	sadd.s32 $0x9A00, s31;
	[sflag:s8] =	ssyncadd.s32 $0xFFFFC000  }
0x31: {  	[hbm4b:s23+s2] =	stream.linear.scatter [tilespmem:s6], [sflag:$0x5], $0x4000, $0x38;
	[tilespmem:$0x10400] =	vst v63  }
0x32: {  	_ =	swait.ge [sflag:s24], $0x4000  }
0x33: {  	[sflag:s24] =	ssyncset.done $0x0  }
0x34: {  	s25 =	simm.s32 $0x300;
	[sflag:s24] =	ssyncadd.s32 $0xFFFFC000  }
0x35: {  	[tilespmem:s10], [sflag:$0x3] =	stream.indirect.gather [hbm4b:s4+s5], $0x80, s25, s5, $0xb8;
	[tilespmem:$0x10400] =	vst v63  }
0x36: {  	_ =	swait.ge [sflag:s11], $0x4000  }
0x37: {  	[sflag:s11] =	ssyncset.done $0x0  }
0x38: {  	s26 =	simm.s32 $0x8;
	s28 =	sadd.s32 $0xA200, s31;
	[sflag:s11] =	ssyncadd.s32 $0xFFFFC000  }
0x39: {  	[hbm4b:s28+s2] =	stream.linear.scatter [tilespmem:s7], [sflag:$0x6], $0x4000, $0x38;
	[tilespmem:$0x10400] =	vst v63  }
0x3a: {  	_ =	swait.ge [sflag:s26], $0x4000  }
0x3b: {  	[sflag:s26] =	ssyncset.done $0x0  }
0x3c: {  	s29 =	simm.s32 $0x380;
	[sflag:s26] =	ssyncadd.s32 $0xFFFFC000  }
0x3d: {  	[tilespmem:s14], [sflag:$0x4] =	stream.indirect.gather [hbm4b:s4+s5], $0x80, s29, s5, $0xb8;
	[tilespmem:$0x10400] =	vst v63  }
0x3e: {  	_ =	swait.ge [sflag:s15], $0x4000  }
0x3f: {  	[sflag:s15] =	ssyncset.done $0x0  }
0x40: {  	s30 =	sadd.s32 $0xAA00, s31;
	[sflag:s15] =	ssyncadd.s32 $0xFFFFC000  }
0x41: {  	[hbm4b:s30+s2] =	stream.linear.scatter [tilespmem:s10], [sflag:$0x7], $0x4000, $0x38;
	[tilespmem:$0x10400] =	vst v63  }
0x42: {  	_ =	swait.ge [sflag:s19], $0x4000  }
0x43: {  	[sflag:s19] =	ssyncset.done $0x0  }
0x44: {  	s31 =	sadd.s32 $0xB200, s31;
	[sflag:s19] =	ssyncadd.s32 $0xFFFFC000  }
0x45: {  	[hbm4b:s31+s2] =	stream.linear.scatter [tilespmem:s14], [sflag:$0x8], $0x4000, $0x38;
	[tilespmem:$0x10400] =	vst v63  }
0x46: {  	s1 =	ssub.s32 $0x2, s1;
	_ =	swait.ge [sflag:s17], $0x4000  }
0x47: {  	s0 =	sshrl.u32 s1, $0x1;
	[sflag:s17] =	ssyncset.done $0x0  }
0x48: {  	s0 =	ssub.s32 s1, s0;
	[sflag:s17] =	ssyncadd.s32 $0xFFFFC000  }
0x49: {  	s0 =	smax.u32 s0, $0x1;
	_ =	swait.ge [sflag:s21], $0x4000  }
0x4a: {  	p0 =	sne.s32 s0, $0x1;
	[sflag:s21] =	ssyncset.done $0x0  }
.Ltmp0:
0x4b: {  	[sflag:s21] =	ssyncadd.s32 $0xFFFFC000;
	(pc) =	sbr.rel @!p0 .LBB2_2-.Ltmp0, $4  }
0x4c: {  	_ =	swait.ge [sflag:s24], $0x4000  }
0x4d: {  	[sflag:s24] =	ssyncset.done $0x0  }
0x4e: {  	[sflag:s24] =	ssyncadd.s32 $0xFFFFC000  }
0x4f: {  	s1 =	sadd.s32 $0xFFFFFFFF, s0;
	_ =	swait.ge [sflag:s26], $0x4000  }
.LBB2_1:
0x50: {  	[sflag:s26] =	ssyncset.done $0x0  }
0x51: {  	s0 =	rddreg [dreg:$0x2];
	[sflag:s26] =	ssyncadd.s32 $0xFFFFC000  }
0x52: {  	[tilespmem:s2], [sflag:$0x9] =	stream.linear.gather [hbm4b:s0+s2], $0x400, $0x38;
	[tilespmem:$0x10400] =	vst v63  }
0x53: {  	_ =	swait.ge [sflag:s3], $0x400  }
0x54: {  	[sflag:s3] =	ssyncset.done $0x0  }
0x55: {  	[sflag:s3] =	ssyncadd.s32 $0xFFFFFC00  }
0x56: {  	[tilespmem:s6], [sflag:$0x1] =	stream.indirect.gather [hbm4b:s4+s5], $0x80, s2, s5, $0xb8;
	[tilespmem:$0x10400] =	vst v63  }
0x57: {  	_ = 	snop  }
0x58: {  	[tilespmem:s7], [sflag:$0x2] =	stream.indirect.gather [hbm4b:s4+s5], $0x80, s5, s5, $0xb8;
	[tilespmem:$0x10400] =	vst v63  }
0x59: {  	_ =	swait.ge [sflag:s8], $0x4000  }
0x5a: {  	[sflag:s8] =	ssyncset.done $0x0  }
0x5b: {  	s0 =	rddreg [dreg:$0x3];
	[sflag:s8] =	ssyncadd.s32 $0xFFFFC000  }
0x5c: {  	[hbm4b:s0+s2] =	stream.linear.scatter [tilespmem:s6], [sflag:$0x5], $0x4000, $0x38;
	[tilespmem:$0x10400] =	vst v63  }
0x5d: {  	_ = 	snop  }
0x5e: {  	[tilespmem:s10], [sflag:$0x3] =	stream.indirect.gather [hbm4b:s4+s5], $0x80, s9, s5, $0xb8;
	[tilespmem:$0x10400] =	vst v63  }
0x5f: {  	_ =	swait.ge [sflag:s11], $0x4000  }
0x60: {  	[sflag:s11] =	ssyncset.done $0x0  }
0x61: {  	[sflag:s11] =	ssyncadd.s32 $0xFFFFC000  }
0x62: {  	[hbm4b:s12+s2] =	stream.linear.scatter [tilespmem:s7], [sflag:$0x6], $0x4000, $0x38;
	[tilespmem:$0x10400] =	vst v63  }
0x63: {  	_ = 	snop  }
0x64: {  	[tilespmem:s14], [sflag:$0x4] =	stream.indirect.gather [hbm4b:s4+s5], $0x80, s13, s5, $0xb8;
	[tilespmem:$0x10400] =	vst v63  }
0x65: {  	_ =	swait.ge [sflag:s15], $0x4000  }
0x66: {  	[sflag:s15] =	ssyncset.done $0x0  }
0x67: {  	[sflag:s15] =	ssyncadd.s32 $0xFFFFC000  }
0x68: {  	[hbm4b:s16+s2] =	stream.linear.scatter [tilespmem:s10], [sflag:$0x7], $0x4000, $0x38;
	[tilespmem:$0x10400] =	vst v63  }
0x69: {  	_ =	swait.ge [sflag:s17], $0x4000  }
0x6a: {  	[sflag:s17] =	ssyncset.done $0x0  }
0x6b: {  	[sflag:s17] =	ssyncadd.s32 $0xFFFFC000  }
0x6c: {  	[tilespmem:s6], [sflag:$0x1] =	stream.indirect.gather [hbm4b:s4+s5], $0x80, s18, s5, $0xb8;
	[tilespmem:$0x10400] =	vst v63  }
0x6d: {  	_ =	swait.ge [sflag:s19], $0x4000  }
0x6e: {  	[sflag:s19] =	ssyncset.done $0x0  }
0x6f: {  	[sflag:s19] =	ssyncadd.s32 $0xFFFFC000  }
0x70: {  	[hbm4b:s20+s2] =	stream.linear.scatter [tilespmem:s14], [sflag:$0x8], $0x4000, $0x38;
	[tilespmem:$0x10400] =	vst v63  }
0x71: {  	_ =	swait.ge [sflag:s21], $0x4000  }
0x72: {  	[sflag:s21] =	ssyncset.done $0x0  }
0x73: {  	[sflag:s21] =	ssyncadd.s32 $0xFFFFC000  }
0x74: {  	[tilespmem:s7], [sflag:$0x2] =	stream.indirect.gather [hbm4b:s4+s5], $0x80, s22, s5, $0xb8;
	[tilespmem:$0x10400] =	vst v63  }
0x75: {  	_ =	swait.ge [sflag:s8], $0x4000  }
0x76: {  	[sflag:s8] =	ssyncset.done $0x0  }
0x77: {  	[sflag:s8] =	ssyncadd.s32 $0xFFFFC000  }
0x78: {  	[hbm4b:s23+s2] =	stream.linear.scatter [tilespmem:s6], [sflag:$0x5], $0x4000, $0x38;
	[tilespmem:$0x10400] =	vst v63  }
0x79: {  	_ =	swait.ge [sflag:s24], $0x4000  }
0x7a: {  	[sflag:s24] =	ssyncset.done $0x0  }
0x7b: {  	[sflag:s24] =	ssyncadd.s32 $0xFFFFC000  }
0x7c: {  	[tilespmem:s10], [sflag:$0x3] =	stream.indirect.gather [hbm4b:s4+s5], $0x80, s25, s5, $0xb8;
	[tilespmem:$0x10400] =	vst v63  }
0x7d: {  	_ =	swait.ge [sflag:s11], $0x4000  }
0x7e: {  	[sflag:s11] =	ssyncset.done $0x0  }
0x7f: {  	[sflag:s11] =	ssyncadd.s32 $0xFFFFC000  }
0x80: {  	[hbm4b:s28+s2] =	stream.linear.scatter [tilespmem:s7], [sflag:$0x6], $0x4000, $0x38;
	[tilespmem:$0x10400] =	vst v63  }
0x81: {  	_ =	swait.ge [sflag:s26], $0x4000  }
0x82: {  	[sflag:s26] =	ssyncset.done $0x0  }
0x83: {  	[sflag:s26] =	ssyncadd.s32 $0xFFFFC000  }
0x84: {  	[tilespmem:s14], [sflag:$0x4] =	stream.indirect.gather [hbm4b:s4+s5], $0x80, s29, s5, $0xb8;
	[tilespmem:$0x10400] =	vst v63  }
0x85: {  	_ =	swait.ge [sflag:s15], $0x4000  }
0x86: {  	[sflag:s15] =	ssyncset.done $0x0  }
0x87: {  	[sflag:s15] =	ssyncadd.s32 $0xFFFFC000  }
0x88: {  	[hbm4b:s30+s2] =	stream.linear.scatter [tilespmem:s10], [sflag:$0x7], $0x4000, $0x38;
	[tilespmem:$0x10400] =	vst v63  }
0x89: {  	_ =	swait.ge [sflag:s19], $0x4000  }
0x8a: {  	[sflag:s19] =	ssyncset.done $0x0  }
0x8b: {  	[sflag:s19] =	ssyncadd.s32 $0xFFFFC000  }
0x8c: {  	[hbm4b:s31+s2] =	stream.linear.scatter [tilespmem:s14], [sflag:$0x8], $0x4000, $0x38;
	[tilespmem:$0x10400] =	vst v63  }
0x8d: {  	_ =	swait.ge [sflag:s17], $0x4000  }
0x8e: {  	[sflag:s17] =	ssyncset.done $0x0  }
0x8f: {  	[sflag:s17] =	ssyncadd.s32 $0xFFFFC000  }
0x90: {  	_ =	swait.ge [sflag:s21], $0x4000  }
0x91: {  	p0 =	sne.s32 s1, $0x1;
	[sflag:s21] =	ssyncset.done $0x0  }
.Ltmp1:
0x92: {  	[sflag:s21] =	ssyncadd.s32 $0xFFFFC000;
	(pc) =	sbr.rel @p0 .LBB2_1-.Ltmp1, $4  }
0x93: {  	_ =	swait.ge [sflag:s24], $0x4000  }
0x94: {  	[sflag:s24] =	ssyncset.done $0x0  }
0x95: {  	[sflag:s24] =	ssyncadd.s32 $0xFFFFC000  }
0x96: {  	s1 =	sadd.s32 $0xFFFFFFFF, s1;
	_ =	swait.ge [sflag:s26], $0x4000  }
.LBB2_2:
0x97: {  	[sflag:s26] =	ssyncset.done $0x0  }
0x98: {  	[sflag:s26] =	ssyncadd.s32 $0xFFFFC000  }
0x99: {  	_ =	sfence.sel $0x180000  }
0x9a: {  	[bflag:$0x0] =	sbarrier.arrive $0xFFFF  }
0x9b: {  	_ =	strace $0x9000004A  }
0x9c: {  	s0 =	stileid.u32;
	[bflag:$0x2] =	sbarrier.arrive $0xFFFF  }
0x9d: {  	p0 =	sne.s32 s0, $0x0;
	s0 =	rddreg [dreg:$0x1]  }
0x9e: {  	s0 =	sadd.s32 @!p0 $0x100000, s0  }
0x9f: {  	[sflag:s0] =	ssyncadd.tile.s32 @!p0 $0x1;
	_ =	shalt  }
.Lfunc_end2:
_tile_overlayer_lowered:
.L_overlay_start_2:
0xa0: {  	(tag) =	ssettag $0x2  }
0xa1: {  	s0 =	rddreg [dreg:$0x0];
	s2 =	stileid.u32  }
0xa2: {  	s1 =	rddreg [dreg:$0x1];
	p0 =	sne.s32 s2, $0x0  }
0xa3: {  	s3 =	rddreg [dreg:$0x2];
	[bflag:$0x3] =	sbarrier.arrive $0xFFFF;
	s2 =	simm.s32 @!p0 $0x1C09  }
0xa4: {  	[timem:s3], [sflag:s2] =	dma.local @!p0 [hbm:s0], s1  }
0xa5: {  	s0 =	simm.s32 @!p0 $0x9  }
0xa6: {  	_ =	swait.ge @!p0 [sflag:s0], s1  }
0xa7: {  	s1 =	ssub.s32 @!p0 $0x0, s1;
	[sflag:s0] =	ssyncset.done @!p0 $0x0  }
0xa8: {  	[sflag:s0] =	ssyncadd.s32 @!p0 s1  }
0xa9: {  	[bflag:$0x3] =	sbarrier.arrive $0xFFFF  }
0xaa: {  	_ =	shalt  }

// kernel: kernel.8.cloned.1.call-start
scs
__scs_entry_jumppad:
0x0: {  	(pc) =	sbr.rel $0x88, $3  }
0x1: {  	(tag) =	ssettag $0x0;
	lr =	simm.s32 $0x1  }
0x2: {  	[smem:$0x3F9F] =	sst lr;
	_ =	strace $0xD0000000  }
0x3: {  	_ = 	snop  }
0x4: {  	_ = 	snop  }
0x5: {  	_ = 	snop  }
0x6: {  	_ = 	snop  }
0x7: {  	_ = 	snop  }
__scs_overlays_trampoline_lowered:
0x8: {  	[smem:$0x3FAE] =	sst s0  }
0x9: {  	[smem:$0x3FAF] =	sst s1  }
0xa: {  	[smem:$0x3FB0] =	sst s2  }
0xb: {  	[smem:$0x3FB1] =	sst s3  }
0xc: {  	[smem:$0x3FB2] =	sst s4  }
0xd: {  	[smem:$0x3FB3] =	sst s5  }
0xe: {  	[smem:$0x3FB4] =	sst s6  }
0xf: {  	[smem:$0x3FB5] =	sst s7  }
0x10: {  	[smem:$0x3FB6] =	sst s8  }
0x11: {  	[smem:$0x3FB7] =	sst s9;
	s0 =	simm.s32 @!p0 $0x0  }
0x12: {  	s1 =	sld [smem:$0x3F9D];
	s0 =	simm.s32 @p0 $0x1  }
0x13: {  	[smem:$0x3FB8] =	sst s0;
	s0 =	simm.s32 @!p1 $0x0  }
0x14: {  	s2 =	sld [smem:$0x3F9C];
	s0 =	simm.s32 @p1 $0x1  }
0x15: {  	[smem:$0x3FB9] =	sst s0;
	s0 =	simm.s32 @!p2 $0x0  }
0x16: {  	s3 =	sld [smem:$0x3FDB];
	s0 =	simm.s32 @p2 $0x1  }
0x17: {  	s4 =	simm.s32 $0x1BF5;
	[smem:$0x3FBB] =	sst s0  }
0x18: {  	s0 =	sld [smem:$0x3F9E];
	_ =	swait.ge [sflag:s4], $0x0  }
0x19: {  	s7 =	sld [smem:$0x3F9F]  }
0x1a: {  	s8 =	sadd.s32 $0xFFFFE003, lr  }
0x1b: {  	s9 =	sadd.s32 $0xFFFFFEF7, lr;
	s5 =	simm.s32 $0xFFFFFFFF;
	p2 =	slt.u32 s8, $0xFFFFF086  }
0x1c: {  	p1 =	slt.u32 s9, $0xF7A;
	s5 =	simm.s32 @!p2 $0x0  }
0x1d: {  	s5 =	simm.s32 @p1 $0x1;
	p0 =	seq.s32 s7, s2  }
0x1e: {  	s7 =	smul.u32 @!p0 $0xF7A, s2;
	p2 =	seq.s32 @!p0 s5, $0x0  }
0x1f: {  	s9 =	smul.u32 $0xF7A, s1;
	s8 =	simm.s32 @!p0 $0x1BF5;
	p2 =	por !p2, p0  }
0x20: {  	[sflag:s8] =	ssyncset.s32 @!p0 $0xFFFFF086;
	s6 =	sadd.s32 @!p0 s3, s7;
	s7 =	simm.s32 @!p0 $0x108  }
0x21: {  	s3 =	sadd.s32 s3, s9;
	s6 =	sadd.s32 @!p0 $0x88, s6;
	s7 =	simm.s32 @p2 $0x1082  }
0x22: {  	[simem:s7], [sflag:s8] =	dma.local @!p0 [hbm:s6], $0xF7A  }
0x23: {  	s9 =	sor.u32 $0xD0000000, s2;
	s6 =	simm.s32 $0x108;
	_ =	swait.ge @!p0 [sflag:s8], $0x0  }
0x24: {  	s3 =	sadd.s32 $0x88, s3;
	s6 =	simm.s32 @!p1 $0x1082;
	[sflag:s4] =	ssyncset.s32 $0xFFFFF086  }
0x25: {  	[simem:s6], [sflag:s4] =	dma.local [hbm:s3], $0xF7A  }
0x26: {  	[smem:$0x3F9F] =	sst s1;
	(tag) =	ssettag s2;
	_ =	strace s9  }
0x27: {  	s1 =	sld [smem:$0x3FAF]  }
0x28: {  	s2 =	sld [smem:$0x3FB0]  }
0x29: {  	s4 =	sld [smem:$0x3FB2]  }
0x2a: {  	p0 =	seq.s32 s5, $0x0;
	s5 =	sld [smem:$0x3FB3]  }
0x2b: {  	s6 =	sld [smem:$0x3FB4]  }
0x2c: {  	s7 =	sld [smem:$0x3FB5]  }
0x2d: {  	s3 =	simm.s32 $0x108;
	s8 =	sld [smem:$0x3FB6]  }
0x2e: {  	s3 =	simm.s32 @!p0 $0x1082;
	s9 =	sld [smem:$0x3FB7]  }
0x2f: {  	lr =	sadd.s32 s0, s3;
	s0 =	sld [smem:$0x3FAE]  }
0x30: {  	s3 =	sld [smem:$0x3FB1]  }
0x31: {  	[smem:$0x3FBA] =	sst s10  }
0x32: {  	s10 =	sld [smem:$0x3FB8];
	_ =	sdelay $0x3  }
0x33: {  	p0 =	seq.s32 s10, $0x1;
	s10 =	sld [smem:$0x3FBA];
	_ =	sdelay $0x3  }
0x34: {  	[smem:$0x3FBA] =	sst s10  }
0x35: {  	s10 =	sld [smem:$0x3FB9];
	_ =	sdelay $0x3  }
0x36: {  	p1 =	seq.s32 s10, $0x1;
	s10 =	sld [smem:$0x3FBA];
	_ =	sdelay $0x3  }
0x37: {  	[smem:$0x3FBA] =	sst s10  }
0x38: {  	s10 =	sld [smem:$0x3FBB]  }
0x39: {  	_ = 	snop;
	(pc) =	sbr.ind lr, $3  }
0x3a: {  	_ = 	snop  }
0x3b: {  	_ = 	snop  }
0x3c: {  	p2 =	seq.s32 s10, $0x1;
	s10 =	sld [smem:$0x3FBA]  }
0x3d: {  	_ =	shalt  }
0x3e: {  	_ =	shalt  }
0x3f: {  	_ =	shalt  }
0x40: {  	_ =	shalt  }
0x41: {  	_ =	shalt  }
0x42: {  	_ =	shalt  }
0x43: {  	_ =	shalt  }
0x44: {  	_ =	shalt  }
0x45: {  	_ =	shalt  }
0x46: {  	_ =	shalt  }
0x47: {  	_ =	shalt  }
0x48: {  	_ =	shalt  }
0x49: {  	_ =	shalt  }
0x4a: {  	_ =	shalt  }
0x4b: {  	_ =	shalt  }
0x4c: {  	_ =	shalt  }
0x4d: {  	_ =	shalt  }
0x4e: {  	_ =	shalt  }
0x4f: {  	_ =	shalt  }
0x50: {  	_ =	shalt  }
0x51: {  	_ =	shalt  }
0x52: {  	_ =	shalt  }
0x53: {  	_ =	shalt  }
0x54: {  	_ =	shalt  }
0x55: {  	_ =	shalt  }
0x56: {  	_ =	shalt  }
0x57: {  	_ =	shalt  }
0x58: {  	_ =	shalt  }
0x59: {  	_ =	shalt  }
0x5a: {  	_ =	shalt  }
0x5b: {  	_ =	shalt  }
0x5c: {  	_ =	shalt  }
0x5d: {  	_ =	shalt  }
0x5e: {  	_ =	shalt  }
0x5f: {  	_ =	shalt  }
0x60: {  	_ =	shalt  }
0x61: {  	_ =	shalt  }
0x62: {  	_ =	shalt  }
0x63: {  	_ =	shalt  }
0x64: {  	_ =	shalt  }
0x65: {  	_ =	shalt  }
0x66: {  	_ =	shalt  }
0x67: {  	_ =	shalt  }
0x68: {  	_ =	shalt  }
0x69: {  	_ =	shalt  }
0x6a: {  	_ =	shalt  }
0x6b: {  	_ =	shalt  }
0x6c: {  	_ =	shalt  }
0x6d: {  	_ =	shalt  }
0x6e: {  	_ =	shalt  }
0x6f: {  	_ =	shalt  }
0x70: {  	_ =	shalt  }
0x71: {  	_ =	shalt  }
0x72: {  	_ =	shalt  }
0x73: {  	_ =	shalt  }
0x74: {  	_ =	shalt  }
0x75: {  	_ =	shalt  }
0x76: {  	_ =	shalt  }
0x77: {  	_ =	shalt  }
0x78: {  	_ =	shalt  }
0x79: {  	_ =	shalt  }
0x7a: {  	_ =	shalt  }
0x7b: {  	_ =	shalt  }
0x7c: {  	_ =	shalt  }
0x7d: {  	_ =	shalt  }
0x7e: {  	_ =	shalt  }
0x7f: {  	_ =	shalt  }
0x80: {  	_ =	shalt  }
0x81: {  	_ =	shalt  }
0x82: {  	_ =	shalt  }
0x83: {  	_ =	shalt  }
0x84: {  	_ =	shalt  }
0x85: {  	_ =	shalt  }
0x86: {  	_ =	shalt  }
0x87: {  	_ =	shalt  }
.Lfunc_end0:
.L_simem_size_0:
called_computation_lowered:
.L_overlay_start_0:
0x88: {  	s2 =	sld [smem:$0x3FD9]  }
0x89: {  	s3 =	sld [smem:$0x3FFE];
	_ =	sdelay $0x1  }
0x8a: {  	s1 =	srdreg.scid  }
0x8b: {  	s0 =	sand.u32 $0x1, s1  }
0x8c: {  	s14 =	sshll.u32 s0, $0xA;
	s2 =	sadd.s32 s3, s2  }
0x8d: {  	s2 =	sadd.s32 s2, s14  }
0x8e: {  	[smem:$0x3FC6] =	sst s2  }
0x8f: {  	_ = 	snop  }
0x90: {  	s2 =	sld [smem:$0x3FD0];
	_ =	sdelay $0x2  }
0x91: {  	s15 =	simm.s32 $0xB;
	s4 =	simm.s32 $0x10  }
0x92: {  	[smem:s4], [sflag:s15] =	dma.local [hbm:s2], $0x1  }
0x93: {  	_ =	swait.eq [sflag:s15], $0x1  }
0x94: {  	[sflag:s15] =	ssyncset.done $0x0  }
0x95: {  	[sflag:s15] =	ssyncadd.s32 $0xFFFFFFFF  }
0x96: {  	s16 =	sld [smem:$0x11];
	(tm) =	ssettm $0x1  }
0x97: {  	s17 =	sld [smem:$0x3FFB];
	_ =	sdelay $0x3  }
0x98: {  	_ =	strace s17  }
0x99: {  	s3 =	sld [smem:$0x3FFC];
	_ =	sdelay $0x3  }
0x9a: {  	_ =	strace s3  }
0x9b: {  	s3 =	sld [smem:$0x3FFD];
	_ =	sdelay $0x3  }
0x9c: {  	_ =	strace s3  }
0x9d: {  	_ =	strace $0x8FFFFFFF  }
0x9e: {  	s18 =	sld [smem:$0x3FDB];
	_ =	sdelay $0x1  }
0x9f: {  	s19 =	simm.s32 $_scs_section_size  }
0xa0: {  	s5 =	simm.s32 $_size__tile_overlayer_lowered;
	s6 =	simm.s32 $_tile_overlayer_lowered  }
0xa1: {  	s22 =	simm.s32 $0x1BFF;
	s21 =	sshll.u32 s6, $0x1;
	s3 =	sadd.s32 s19, s18  }
0xa2: {  	s7 =	simm.s32 $0x0;
	s20 =	sshll.u32 s5, $0x1;
	s5 =	sadd.s32 s21, s3  }
0xa3: {  	[timem:s7], [sflag:s22] =	dma.local [hbm:s5], s20  }
0xa4: {  	_ =	swait.ge [sflag:s22], s20  }
0xa5: {  	s4 =	ssub.s32 $0x0, s20;
	[sflag:s22] =	ssyncset.done $0x0  }
0xa6: {  	[sflag:s22] =	ssyncadd.s32 s4;
	_ =	sdelay $0x1  }
0xa7: {  	s23 =	simm.s32 $0x1B8B  }
0xa8: {  	_ =	swait.ge [sflag:s23], $0x1  }
0xa9: {  	[sflag:s23] =	ssyncset.done $0x0  }
0xaa: {  	s25 =	simm.s32 $0x1B8E;
	s24 =	sld [smem:$0x3FFE];
	[sflag:s23] =	ssyncadd.s32 $0xFFFFFFFF  }
0xab: {  	s26 =	simm.s32 $execute0_lowered;
	[smem:$0x3FD2] =	sst s25  }
0xac: {  	s5 =	sshll.u32 s26, $0x1;
	_ =	strace $0x80000046;
	[dreg:$0x1] =	wrdreg $0xFFFFFFFF  }
0xad: {  	s28 =	simm.s32 $_size_execute0_lowered;
	s3 =	sadd.s32 s3, s5;
	[dreg:$0x0] =	wrdreg $0x0  }
0xae: {  	s5 =	sshll.u32 s28, $0x1;
	[dreg:$0x2] =	wrdreg s3  }
0xaf: {  	[dreg:$0x3] =	wrdreg s5  }
0xb0: {  	[dreg:$0x4] =	wrdreg $0xC0  }
0xb1: {  	_ =	task [dreg:s7], $0x5FFFF  }
0xb2: {  	[dreg:$0x1] =	wrdreg $0xFFFFFFFF  }
0xb3: {  	[dreg:$0x0] =	wrdreg $0x60  }
0xb4: {  	[dreg:$0x2] =	wrdreg s24  }
0xb5: {  	[dreg:$0x3] =	wrdreg s16  }
0xb6: {  	[dreg:$0x4] =	wrdreg $0x9  }
0xb7: {  	_ =	task.clear_ibuf [dreg:s7], $0x5FFFF;
	_ =	strace $0x90000046  }
0xb8: {  	s29 =	simm.s32 $0x9;
	_ =	strace $0x80000048  }
0xb9: {  	_ =	swait.ge [sflag:s29], $0x1  }
0xba: {  	[sflag:s29] =	ssyncadd.s32 $0xFFFFFFFF  }
0xbb: {  	_ =	strace $0x90000048  }
0xbc: {  	_ =	sfence  }
0xbd: {  	s30 =	sld [smem:$0x0];
	_ =	sdelay $0x2  }
0xbe: {  	s31 =	sshll.u32 s1, $0xD;
	s1 =	sshrl.u32 s1, $0x2  }
0xbf: {  	s3 =	sand.u32 $0x4000, s31;
	s1 =	sadd.s32 s1, s30  }
0xc0: {  	s0 =	sor.u32 s3, s0;
	s1 =	sshll.u32 s1, $0x11  }
0xc1: {  	s0 =	sor.u32 s1, s0  }
0xc2: {  	s0 =	sadd.s32 $0x8F2B, s0  }
0xc3: {  	[sflag:s0] =	ssyncadd.remote.s32 $0x1  }
0xc4: {  	_ =	sfence.sel $0xFFFF  }
0xc5: {  	[dreg:$0x0] =	wrdreg $0xFFFFFFFF;
	(pc) =	sbr.abs _section_cstart, $3  }
0xc6: {  	[dreg:$0x1] =	wrdreg $0xFFFFFFFF  }
0xc7: {  	_ =	task.clear_ibuf [dreg:s7], $0x2FFFF;
	_ =	strace $0x9FFFFFFF  }
0xc8: {  	(tm) =	ssettm $0x7FFFFFFF  }
0xc9: {  	_ =	shalt  }
tec
execute0_lowered:
.L_overlay_start_1:
0x0: {  	(tag) =	ssettag $0x1  }
0x1: {  	s1 =	srdreg.scid  }
0x2: {  	s0 =	stileid.u32;
	s1 =	sand.u32 $0x1, s1  }
0x3: {  	s2 =	sshll.u32 s0, $0xB;
	s3 =	sshll.u32 s1, $0xA  }
0x4: {  	s5 =	rddreg [dreg:$0x0];
	s3 =	sor.u32 s3, s2  }
0x5: {  	s4 =	rddreg [dreg:$0x1];
	s6 =	sshrl.u32 s3, $0x3  }
0x6: {  	s2 =	simm.s32 $0x0;
	s3 =	sshll.u32 s3, $0x4;
	s6 =	sadd.s32 s6, s5  }
0x7: {  	[smem:$0x7FF] =	sst s2;
	s3 =	sadd.s32 s4, s3;
	s6 =	sadd.s32 $0x1A00, s6  }
0x8: {  	_ =	strace $0x80000047;
	s4 =	sadd.s32 $0x800, s3;
	[dreg:$0x3] =	wrdreg s6  }
0x9: {  	[dreg:$0x4] =	wrdreg s4  }
0xa: {  	s4 =	simm.s32 $0x9;
	s6 =	rddreg [dreg:$0x3]  }
0xb: {  	[tilespmem:s2], [sflag:$0x9] =	stream.linear.gather [hbm4b:s6+s2], $0x400, $0x38;
	[tilespmem:$0x10400] =	vst v63  }
0xc: {  	_ =	swait.ge [sflag:s4], $0x400  }
0xd: {  	s7 =	simm.s32 $0x400;
	[sflag:s4] =	ssyncset.done $0x0  }
0xe: {  	s5 =	sadd.s32 $0x2A00, s5;
	s6 =	simm.s32 $0x80;
	[sflag:s4] =	ssyncadd.s32 $0xFFFFFC00  }
0xf: {  	[tilespmem:s7], [sflag:$0x1] =	stream.indirect.gather [hbm4b:s5+s6], $0x80, s2, s6, $0xb8;
	[tilespmem:$0x10400] =	vst v63  }
0x10: {  	s8 =	simm.s32 $0x4400;
	s9 =	simm.s32 $0x1  }
0x11: {  	[tilespmem:s8], [sflag:$0x2] =	stream.indirect.gather [hbm4b:s5+s6], $0x80, s6, s6, $0xb8;
	[tilespmem:$0x10400] =	vst v63  }
0x12: {  	_ =	swait.ge [sflag:s9], $0x4000  }
0x13: {  	[sflag:s9] =	ssyncset.done $0x0  }
0x14: {  	[sflag:s9] =	ssyncadd.s32 $0xFFFFC000  }
0x15: {  	[hbm4b:s3+s2] =	stream.linear.scatter [tilespmem:s7], [sflag:$0x5], $0x4000, $0x38;
	[tilespmem:$0x10400] =	vst v63  }
0x16: {  	s10 =	simm.s32 $0x100;
	s11 =	simm.s32 $0x8400;
	s12 =	simm.s32 $0x2  }
0x17: {  	[tilespmem:s11], [sflag:$0x3] =	stream.indirect.gather [hbm4b:s5+s6], $0x80, s10, s6, $0xb8;
	[tilespmem:$0x10400] =	vst v63  }
0x18: {  	_ =	swait.ge [sflag:s12], $0x4000  }
0x19: {  	[sflag:s12] =	ssyncset.done $0x0  }
0x1a: {  	s13 =	rddreg [dreg:$0x4];
	[sflag:s12] =	ssyncadd.s32 $0xFFFFC000  }
0x1b: {  	[hbm4b:s13+s2] =	stream.linear.scatter [tilespmem:s8], [sflag:$0x6], $0x4000, $0x38;
	[tilespmem:$0x10400] =	vst v63  }
0x1c: {  	s14 =	simm.s32 $0xC400;
	s15 =	simm.s32 $0x3;
	s13 =	simm.s32 $0x180  }
0x1d: {  	[tilespmem:s14], [sflag:$0x4] =	stream.indirect.gather [hbm4b:s5+s6], $0x80, s13, s6, $0xb8;
	[tilespmem:$0x10400] =	vst v63  }
0x1e: {  	_ =	swait.ge [sflag:s15], $0x4000  }
0x1f: {  	[sflag:s15] =	ssyncset.done $0x0  }
0x20: {  	s17 =	simm.s32 $0x5;
	s16 =	sadd.s32 $0x1000, s3;
	[sflag:s15] =	ssyncadd.s32 $0xFFFFC000  }
0x21: {  	[hbm4b:s16+s2] =	stream.linear.scatter [tilespmem:s11], [sflag:$0x7], $0x4000, $0x38;
	[tilespmem:$0x10400] =	vst v63  }
0x22: {  	_ =	swait.ge [sflag:s17], $0x4000  }
0x23: {  	[sflag:s17] =	ssyncset.done $0x0  }
0x24: {  	s18 =	simm.s32 $0x200;
	s19 =	simm.s32 $0x4;
	[sflag:s17] =	ssyncadd.s32 $0xFFFFC000  }
0x25: {  	[tilespmem:s7], [sflag:$0x1] =	stream.indirect.gather [hbm4b:s5+s6], $0x80, s18, s6, $0xb8;
	[tilespmem:$0x10400] =	vst v63  }
0x26: {  	_ =	swait.ge [sflag:s19], $0x4000  }
0x27: {  	[sflag:s19] =	ssyncset.done $0x0  }
0x28: {  	s21 =	simm.s32 $0x6;
	s20 =	sadd.s32 $0x1800, s3;
	[sflag:s19] =	ssyncadd.s32 $0xFFFFC000  }
0x29: {  	[hbm4b:s20+s2] =	stream.linear.scatter [tilespmem:s14], [sflag:$0x8], $0x4000, $0x38;
	[tilespmem:$0x10400] =	vst v63  }
0x2a: {  	_ =	swait.ge [sflag:s21], $0x4000  }
0x2b: {  	[sflag:s21] =	ssyncset.done $0x0  }
0x2c: {  	s22 =	simm.s32 $0x280;
	[sflag:s21] =	ssyncadd.s32 $0xFFFFC000  }
0x2d: {  	[tilespmem:s8], [sflag:$0x2] =	stream.indirect.gather [hbm4b:s5+s6], $0x80, s22, s6, $0xb8;
	[tilespmem:$0x10400] =	vst v63  }
0x2e: {  	_ =	swait.ge [sflag:s9], $0x4000  }
0x2f: {  	[sflag:s9] =	ssyncset.done $0x0  }
0x30: {  	s24 =	simm.s32 $0x7;
	s23 =	sadd.s32 $0x2000, s3;
	[sflag:s9] =	ssyncadd.s32 $0xFFFFC000  }
0x31: {  	[hbm4b:s23+s2] =	stream.linear.scatter [tilespmem:s7], [sflag:$0x5], $0x4000, $0x38;
	[tilespmem:$0x10400] =	vst v63  }
0x32: {  	_ =	swait.ge [sflag:s24], $0x4000  }
0x33: {  	[sflag:s24] =	ssyncset.done $0x0  }
0x34: {  	s25 =	simm.s32 $0x300;
	[sflag:s24] =	ssyncadd.s32 $0xFFFFC000  }
0x35: {  	[tilespmem:s11], [sflag:$0x3] =	stream.indirect.gather [hbm4b:s5+s6], $0x80, s25, s6, $0xb8;
	[tilespmem:$0x10400] =	vst v63  }
0x36: {  	_ =	swait.ge [sflag:s12], $0x4000  }
0x37: {  	[sflag:s12] =	ssyncset.done $0x0  }
0x38: {  	s26 =	simm.s32 $0x8;
	s28 =	sadd.s32 $0x2800, s3;
	[sflag:s12] =	ssyncadd.s32 $0xFFFFC000  }
0x39: {  	[hbm4b:s28+s2] =	stream.linear.scatter [tilespmem:s8], [sflag:$0x6], $0x4000, $0x38;
	[tilespmem:$0x10400] =	vst v63  }
0x3a: {  	_ =	swait.ge [sflag:s26], $0x4000  }
0x3b: {  	[sflag:s26] =	ssyncset.done $0x0  }
0x3c: {  	s29 =	simm.s32 $0x380;
	[sflag:s26] =	ssyncadd.s32 $0xFFFFC000  }
0x3d: {  	[tilespmem:s14], [sflag:$0x4] =	stream.indirect.gather [hbm4b:s5+s6], $0x80, s29, s6, $0xb8;
	[tilespmem:$0x10400] =	vst v63  }
0x3e: {  	_ =	swait.ge [sflag:s15], $0x4000  }
0x3f: {  	[sflag:s15] =	ssyncset.done $0x0  }
0x40: {  	s30 =	sadd.s32 $0x3000, s3;
	[sflag:s15] =	ssyncadd.s32 $0xFFFFC000  }
0x41: {  	[hbm4b:s30+s2] =	stream.linear.scatter [tilespmem:s11], [sflag:$0x7], $0x4000, $0x38;
	[tilespmem:$0x10400] =	vst v63  }
0x42: {  	_ =	swait.ge [sflag:s19], $0x4000  }
0x43: {  	[sflag:s19] =	ssyncset.done $0x0  }
0x44: {  	s31 =	sadd.s32 $0x3800, s3;
	[sflag:s19] =	ssyncadd.s32 $0xFFFFC000  }
0x45: {  	[hbm4b:s31+s2] =	stream.linear.scatter [tilespmem:s14], [sflag:$0x8], $0x4000, $0x38;
	[tilespmem:$0x10400] =	vst v63  }
0x46: {  	s1 =	ssub.s32 $0x2, s1;
	_ =	swait.ge [sflag:s17], $0x4000  }
0x47: {  	s0 =	sshrl.u32 s1, $0x1;
	[sflag:s17] =	ssyncset.done $0x0  }
0x48: {  	s0 =	ssub.s32 s1, s0;
	[sflag:s17] =	ssyncadd.s32 $0xFFFFC000  }
0x49: {  	s0 =	smax.u32 s0, $0x1;
	_ =	swait.ge [sflag:s21], $0x4000  }
0x4a: {  	p0 =	sne.s32 s0, $0x1;
	[sflag:s21] =	ssyncset.done $0x0  }
.Ltmp0:
0x4b: {  	[sflag:s21] =	ssyncadd.s32 $0xFFFFC000;
	(pc) =	sbr.rel @!p0 .LBB2_2-.Ltmp0, $4  }
0x4c: {  	_ =	swait.ge [sflag:s24], $0x4000  }
0x4d: {  	[sflag:s24] =	ssyncset.done $0x0  }
0x4e: {  	[sflag:s24] =	ssyncadd.s32 $0xFFFFC000  }
0x4f: {  	s1 =	sadd.s32 $0xFFFFFFFF, s0;
	_ =	swait.ge [sflag:s26], $0x4000  }
.LBB2_1:
0x50: {  	[sflag:s26] =	ssyncset.done $0x0  }
0x51: {  	s0 =	rddreg [dreg:$0x3];
	[sflag:s26] =	ssyncadd.s32 $0xFFFFC000  }
0x52: {  	[tilespmem:s2], [sflag:$0x9] =	stream.linear.gather [hbm4b:s0+s2], $0x400, $0x38;
	[tilespmem:$0x10400] =	vst v63  }
0x53: {  	_ =	swait.ge [sflag:s4], $0x400  }
0x54: {  	[sflag:s4] =	ssyncset.done $0x0  }
0x55: {  	[sflag:s4] =	ssyncadd.s32 $0xFFFFFC00  }
0x56: {  	[tilespmem:s7], [sflag:$0x1] =	stream.indirect.gather [hbm4b:s5+s6], $0x80, s2, s6, $0xb8;
	[tilespmem:$0x10400] =	vst v63  }
0x57: {  	_ = 	snop  }
0x58: {  	[tilespmem:s8], [sflag:$0x2] =	stream.indirect.gather [hbm4b:s5+s6], $0x80, s6, s6, $0xb8;
	[tilespmem:$0x10400] =	vst v63  }
0x59: {  	_ =	swait.ge [sflag:s9], $0x4000  }
0x5a: {  	[sflag:s9] =	ssyncset.done $0x0  }
0x5b: {  	[sflag:s9] =	ssyncadd.s32 $0xFFFFC000  }
0x5c: {  	[hbm4b:s3+s2] =	stream.linear.scatter [tilespmem:s7], [sflag:$0x5], $0x4000, $0x38;
	[tilespmem:$0x10400] =	vst v63  }
0x5d: {  	_ = 	snop  }
0x5e: {  	[tilespmem:s11], [sflag:$0x3] =	stream.indirect.gather [hbm4b:s5+s6], $0x80, s10, s6, $0xb8;
	[tilespmem:$0x10400] =	vst v63  }
0x5f: {  	_ =	swait.ge [sflag:s12], $0x4000  }
0x60: {  	[sflag:s12] =	ssyncset.done $0x0  }
0x61: {  	s0 =	rddreg [dreg:$0x4];
	[sflag:s12] =	ssyncadd.s32 $0xFFFFC000  }
0x62: {  	[hbm4b:s0+s2] =	stream.linear.scatter [tilespmem:s8], [sflag:$0x6], $0x4000, $0x38;
	[tilespmem:$0x10400] =	vst v63  }
0x63: {  	_ = 	snop  }
0x64: {  	[tilespmem:s14], [sflag:$0x4] =	stream.indirect.gather [hbm4b:s5+s6], $0x80, s13, s6, $0xb8;
	[tilespmem:$0x10400] =	vst v63  }
0x65: {  	_ =	swait.ge [sflag:s15], $0x4000  }
0x66: {  	[sflag:s15] =	ssyncset.done $0x0  }
0x67: {  	[sflag:s15] =	ssyncadd.s32 $0xFFFFC000  }
0x68: {  	[hbm4b:s16+s2] =	stream.linear.scatter [tilespmem:s11], [sflag:$0x7], $0x4000, $0x38;
	[tilespmem:$0x10400] =	vst v63  }
0x69: {  	_ =	swait.ge [sflag:s17], $0x4000  }
0x6a: {  	[sflag:s17] =	ssyncset.done $0x0  }
0x6b: {  	[sflag:s17] =	ssyncadd.s32 $0xFFFFC000  }
0x6c: {  	[tilespmem:s7], [sflag:$0x1] =	stream.indirect.gather [hbm4b:s5+s6], $0x80, s18, s6, $0xb8;
	[tilespmem:$0x10400] =	vst v63  }
0x6d: {  	_ =	swait.ge [sflag:s19], $0x4000  }
0x6e: {  	[sflag:s19] =	ssyncset.done $0x0  }
0x6f: {  	[sflag:s19] =	ssyncadd.s32 $0xFFFFC000  }
0x70: {  	[hbm4b:s20+s2] =	stream.linear.scatter [tilespmem:s14], [sflag:$0x8], $0x4000, $0x38;
	[tilespmem:$0x10400] =	vst v63  }
0x71: {  	_ =	swait.ge [sflag:s21], $0x4000  }
0x72: {  	[sflag:s21] =	ssyncset.done $0x0  }
0x73: {  	[sflag:s21] =	ssyncadd.s32 $0xFFFFC000  }
0x74: {  	[tilespmem:s8], [sflag:$0x2] =	stream.indirect.gather [hbm4b:s5+s6], $0x80, s22, s6, $0xb8;
	[tilespmem:$0x10400] =	vst v63  }
0x75: {  	_ =	swait.ge [sflag:s9], $0x4000  }
0x76: {  	[sflag:s9] =	ssyncset.done $0x0  }
0x77: {  	[sflag:s9] =	ssyncadd.s32 $0xFFFFC000  }
0x78: {  	[hbm4b:s23+s2] =	stream.linear.scatter [tilespmem:s7], [sflag:$0x5], $0x4000, $0x38;
	[tilespmem:$0x10400] =	vst v63  }
0x79: {  	_ =	swait.ge [sflag:s24], $0x4000  }
0x7a: {  	[sflag:s24] =	ssyncset.done $0x0  }
0x7b: {  	[sflag:s24] =	ssyncadd.s32 $0xFFFFC000  }
0x7c: {  	[tilespmem:s11], [sflag:$0x3] =	stream.indirect.gather [hbm4b:s5+s6], $0x80, s25, s6, $0xb8;
	[tilespmem:$0x10400] =	vst v63  }
0x7d: {  	_ =	swait.ge [sflag:s12], $0x4000  }
0x7e: {  	[sflag:s12] =	ssyncset.done $0x0  }
0x7f: {  	[sflag:s12] =	ssyncadd.s32 $0xFFFFC000  }
0x80: {  	[hbm4b:s28+s2] =	stream.linear.scatter [tilespmem:s8], [sflag:$0x6], $0x4000, $0x38;
	[tilespmem:$0x10400] =	vst v63  }
0x81: {  	_ =	swait.ge [sflag:s26], $0x4000  }
0x82: {  	[sflag:s26] =	ssyncset.done $0x0  }
0x83: {  	[sflag:s26] =	ssyncadd.s32 $0xFFFFC000  }
0x84: {  	[tilespmem:s14], [sflag:$0x4] =	stream.indirect.gather [hbm4b:s5+s6], $0x80, s29, s6, $0xb8;
	[tilespmem:$0x10400] =	vst v63  }
0x85: {  	_ =	swait.ge [sflag:s15], $0x4000  }
0x86: {  	[sflag:s15] =	ssyncset.done $0x0  }
0x87: {  	[sflag:s15] =	ssyncadd.s32 $0xFFFFC000  }
0x88: {  	[hbm4b:s30+s2] =	stream.linear.scatter [tilespmem:s11], [sflag:$0x7], $0x4000, $0x38;
	[tilespmem:$0x10400] =	vst v63  }
0x89: {  	_ =	swait.ge [sflag:s19], $0x4000  }
0x8a: {  	[sflag:s19] =	ssyncset.done $0x0  }
0x8b: {  	[sflag:s19] =	ssyncadd.s32 $0xFFFFC000  }
0x8c: {  	[hbm4b:s31+s2] =	stream.linear.scatter [tilespmem:s14], [sflag:$0x8], $0x4000, $0x38;
	[tilespmem:$0x10400] =	vst v63  }
0x8d: {  	_ =	swait.ge [sflag:s17], $0x4000  }
0x8e: {  	[sflag:s17] =	ssyncset.done $0x0  }
0x8f: {  	[sflag:s17] =	ssyncadd.s32 $0xFFFFC000  }
0x90: {  	_ =	swait.ge [sflag:s21], $0x4000  }
0x91: {  	p0 =	sne.s32 s1, $0x1;
	[sflag:s21] =	ssyncset.done $0x0  }
.Ltmp1:
0x92: {  	[sflag:s21] =	ssyncadd.s32 $0xFFFFC000;
	(pc) =	sbr.rel @p0 .LBB2_1-.Ltmp1, $4  }
0x93: {  	_ =	swait.ge [sflag:s24], $0x4000  }
0x94: {  	[sflag:s24] =	ssyncset.done $0x0  }
0x95: {  	[sflag:s24] =	ssyncadd.s32 $0xFFFFC000  }
0x96: {  	s1 =	sadd.s32 $0xFFFFFFFF, s1;
	_ =	swait.ge [sflag:s26], $0x4000  }
.LBB2_2:
0x97: {  	[sflag:s26] =	ssyncset.done $0x0  }
0x98: {  	[sflag:s26] =	ssyncadd.s32 $0xFFFFC000  }
0x99: {  	_ =	sfence.sel $0x180000  }
0x9a: {  	[bflag:$0x0] =	sbarrier.arrive $0xFFFF  }
0x9b: {  	_ =	strace $0x90000047  }
0x9c: {  	s0 =	stileid.u32;
	[bflag:$0x2] =	sbarrier.arrive $0xFFFF  }
0x9d: {  	p0 =	sne.s32 s0, $0x0;
	s0 =	rddreg [dreg:$0x2]  }
0x9e: {  	s0 =	sadd.s32 @!p0 $0x100000, s0  }
0x9f: {  	[sflag:s0] =	ssyncadd.tile.s32 @!p0 $0x1;
	_ =	shalt  }
.Lfunc_end2:
_tile_overlayer_lowered:
.L_overlay_start_2:
0xa0: {  	(tag) =	ssettag $0x2  }
0xa1: {  	s0 =	rddreg [dreg:$0x0];
	s2 =	stileid.u32  }
0xa2: {  	s1 =	rddreg [dreg:$0x1];
	p0 =	sne.s32 s2, $0x0  }
0xa3: {  	s3 =	rddreg [dreg:$0x2];
	[bflag:$0x3] =	sbarrier.arrive $0xFFFF;
	s2 =	simm.s32 @!p0 $0x1C09  }
0xa4: {  	[timem:s3], [sflag:s2] =	dma.local @!p0 [hbm:s0], s1  }
0xa5: {  	s0 =	simm.s32 @!p0 $0x9  }
0xa6: {  	_ =	swait.ge @!p0 [sflag:s0], s1  }
0xa7: {  	s1 =	ssub.s32 @!p0 $0x0, s1;
	[sflag:s0] =	ssyncset.done @!p0 $0x0  }
0xa8: {  	[sflag:s0] =	ssyncadd.s32 @!p0 s1  }
0xa9: {  	[bflag:$0x3] =	sbarrier.arrive $0xFFFF  }
0xaa: {  	_ =	shalt  }

</sc_bundles>
